<compile_context>
chip_gen: v7x
topology: tpu7x:2x2x1
jax: 0.10.2.dev20260603
libtpu: 0.0.44.dev20260713+nightly
codegen_flags: <defaults>
</compile_context>

<pallas_src>
import functools

import jax
import jax.numpy as jnp
from jax import lax
from jax.experimental import pallas as pl
from jax.experimental.pallas import tpu as pltpu
from jax.experimental.pallas import tpu_sc as plsc

B = 1024
D = 128
N_EP = 100000
K = 8
CBLK = 4000
NBLK = N_EP // CBLK
NCAND = NBLK * K
NEG = -1e30
BIGF = 1e9


def _topk_body(query_ref, wq_ref, keys_ref, cv_ref, ci_ref, qn_ref):
    i = pl.program_id(0)

    @pl.when(i == 0)
    def _init():
        q = lax.dot_general(query_ref[...], wq_ref[...],
                            (((1,), (1,)), ((), ())),
                            preferred_element_type=jnp.float32)
        n = jnp.sqrt(jnp.sum(q * q, axis=1, keepdims=True))
        qn_ref[...] = q / jnp.maximum(n, 1e-12)

    keys = keys_ref[...]
    kn = jnp.sqrt(jnp.sum(keys * keys, axis=1, keepdims=True))
    keysn = keys / jnp.maximum(kn, 1e-12)
    sim = lax.dot_general(qn_ref[...], keysn,
                          (((1,), (1,)), ((), ())),
                          preferred_element_type=jnp.float32)
    lcolf = lax.broadcasted_iota(jnp.int32, (B, CBLK), 1).astype(jnp.float32)
    basef = (i * CBLK).astype(jnp.float32)

    cand_v, cand_i = [], []
    for t in range(K):
        m = jnp.max(sim, axis=1)
        lif = jnp.min(jnp.where(sim == m[:, None], lcolf, BIGF), axis=1)
        cand_v.append(m[:, None])
        cand_i.append(lif[:, None] + basef)
        if t < K - 1:
            sim = jnp.where(lcolf == lif[:, None], NEG, sim)
    cv_ref[0] = jnp.concatenate(cand_v, axis=1)
    ci_ref[0] = jnp.concatenate(cand_i, axis=1)


def _run_topk(query, Wq, keys):
    return pl.pallas_call(
        _topk_body,
        grid=(NBLK,),
        in_specs=[
            pl.BlockSpec((B, D), lambda i: (0, 0)),
            pl.BlockSpec((D, D), lambda i: (0, 0)),
            pl.BlockSpec((CBLK, D), lambda i: (i, 0)),
        ],
        out_specs=[
            pl.BlockSpec((1, B, K), lambda i: (i, 0, 0)),
            pl.BlockSpec((1, B, K), lambda i: (i, 0, 0)),
        ],
        out_shape=[
            jax.ShapeDtypeStruct((NBLK, B, K), jnp.float32),
            jax.ShapeDtypeStruct((NBLK, B, K), jnp.float32),
        ],
        scratch_shapes=[pltpu.VMEM((B, D), jnp.float32)],
    )(query, Wq, keys)


def _select_body(cv_ref, ci_ref, tv_ref, ti_ref):
    v = cv_ref[...]
    ci = ci_ref[...]
    pos = lax.broadcasted_iota(jnp.int32, (B, NCAND), 1).astype(jnp.float32)
    new_v, new_i = [], []
    for _ in range(K):
        m = jnp.max(v, axis=1)
        p = jnp.min(jnp.where(v == m[:, None], pos, BIGF), axis=1)
        hit = pos == p[:, None]
        new_v.append(m[:, None])
        new_i.append(jnp.max(jnp.where(hit, ci, -1.0), axis=1)[:, None])
        v = jnp.where(hit, NEG, v)
    tv_ref[...] = jnp.concatenate(new_v, axis=1)
    ti_ref[...] = jnp.concatenate(new_i, axis=1).astype(jnp.int32)


def _run_select(cvt, cit):
    return pl.pallas_call(
        _select_body,
        out_shape=[
            jax.ShapeDtypeStruct((B, K), jnp.float32),
            jax.ShapeDtypeStruct((B, K), jnp.int32),
        ],
    )(cvt, cit)


_NTOT = B * K
_CH = 128


def _make_sc_gather():
    info = plsc.get_sparse_core_info()
    nc, ns = info.num_cores, info.num_subcores
    nw = nc * ns
    bpw = _NTOT // nw
    nch = bpw // _CH
    mesh = plsc.VectorSubcoreMesh(core_axis_name="c", subcore_axis_name="s")

    @functools.partial(
        pl.kernel, mesh=mesh,
        out_type=jax.ShapeDtypeStruct((_NTOT, D), jnp.float32),
        scratch_types=[
            pltpu.VMEM((nch, _CH), jnp.int32),
            pltpu.VMEM((bpw, D), jnp.float32),
            pltpu.SemaphoreType.DMA,
        ],
    )
    def gather_k(values_hbm, idx_hbm, out_hbm, idx_v, rows_v, sem):
        wid = lax.axis_index("s") * nc + lax.axis_index("c")
        pltpu.sync_copy(idx_hbm.at[pl.ds(wid * nch, nch)], idx_v)
        cps = [
            pltpu.async_copy(values_hbm.at[idx_v.at[j]],
                             rows_v.at[pl.ds(j * _CH, _CH)], sem)
            for j in range(nch)
        ]
        for cp in cps:
            cp.wait()
        pltpu.sync_copy(rows_v, out_hbm.at[pl.ds(wid * bpw, bpw)])

    return gather_k


def _tail_body(query_ref, tv_ref, wv_ref, wg1_ref, wg2_ref, bg_ref, sel_ref,
               out_ref):
    z = tv_ref[...] * 5.0
    m = jnp.max(z, axis=1, keepdims=True)
    e = jnp.exp(z - m)
    w = e / jnp.sum(e, axis=1, keepdims=True)
    r = w[:, 0:1] * sel_ref[:, 0:D]
    for j in range(1, K):
        r = r + w[:, j:j + 1] * sel_ref[:, j * D:(j + 1) * D]
    proj = lax.dot_general(r, wv_ref[...], (((1,), (1,)), ((), ())),
                           preferred_element_type=jnp.float32)
    g = (lax.dot_general(query_ref[...], wg1_ref[...],
                         (((1,), (1,)), ((), ())),
                         preferred_element_type=jnp.float32)
         + lax.dot_general(proj, wg2_ref[...], (((1,), (1,)), ((), ())),
                           preferred_element_type=jnp.float32)
         + bg_ref[...])
    gate = jax.nn.sigmoid(g)
    out_ref[...] = gate * proj


def _run_tail(query, tv, Wv, Wg1, Wg2, bg2d, sel2d):
    return pl.pallas_call(
        _tail_body,
        out_shape=jax.ShapeDtypeStruct((B, D), jnp.float32),
    )(query, tv, Wv, Wg1, Wg2, bg2d, sel2d)


def kernel(query, episode_keys, episode_values, Wq, Wv, Wg, bg, top_k):
    del top_k
    cv, ci = _run_topk(query, Wq, episode_keys)
    cvt = cv.transpose(1, 0, 2).reshape(B, NCAND)
    cit = ci.transpose(1, 0, 2).reshape(B, NCAND)
    tv, ti = _run_select(cvt, cit)
    idx2d = ti.reshape(_NTOT // _CH, _CH)
    sel = _make_sc_gather()(episode_values, idx2d)
    sel2d = sel.reshape(B, K * D)
    return _run_tail(query, tv, Wv, Wg[:, :D], Wg[:, D:], bg.reshape(1, D),
                     sel2d)

# --- scband reference (transcript-rebuilt; emitter-appended) ---
"""Pipeline reference for scband-episodic-memory-66185446031745 (READ-ONLY COPY).

The authoritative reference and input builder live on the scoring server;
editing this copy changes nothing except your own understanding.
"""

import jax, jax.numpy as jnp
import numpy as np

B = 1024
D = 128
N_EP = 100000
TOPK = 8


def _normalize(x, axis):
    n = jnp.linalg.norm(x, axis=axis, keepdims=True)
    return x / jnp.maximum(n, 1e-12)


def setup_inputs(seed: int = 0) -> dict:
    key = jax.random.key(seed)
    ks = jax.random.split(key, 8)
    query = jax.random.normal(ks[0], (B, D), dtype=jnp.float32)
    # episodic store buffers, assumed full (n_stored >= n_episodes)
    episode_keys = jax.random.normal(ks[1], (N_EP, D), dtype=jnp.float32)
    episode_values = jax.random.normal(ks[2], (N_EP, D), dtype=jnp.float32)
    # nn.Linear weights (torch layout: y = x @ W.T + b)
    Wq = jax.random.normal(ks[3], (D, D), dtype=jnp.float32) / np.sqrt(D)
    Wv = jax.random.normal(ks[4], (D, D), dtype=jnp.float32) / np.sqrt(D)
    Wg = jax.random.normal(ks[5], (D, 2 * D), dtype=jnp.float32) / np.sqrt(2 * D)
    bg = jnp.zeros((D,), dtype=jnp.float32)
    return {
        "query": query,
        "episode_keys": episode_keys,
        "episode_values": episode_values,
        "Wq": Wq,
        "Wv": Wv,
        "Wg": Wg,
        "bg": bg,
        "top_k": TOPK,
    }


def reference(query, episode_keys, episode_values, Wq, Wv, Wg, bg, top_k):
    n_valid = episode_keys.shape[0]
    q = query @ Wq.T
    q_norm = _normalize(q, -1)
    keys_norm = _normalize(episode_keys, -1)
    similarity = q_norm @ keys_norm.T  # [B, N_EP]
    similarity = similarity + jnp.zeros((), similarity.dtype) * top_k
    k = min(TOPK, n_valid)
    top_vals, top_idx = jax.lax.top_k(similarity, k)
    weights = jax.nn.softmax(top_vals * 5.0, axis=-1)  # [B, k]
    # batch > 1 path: gather of selected episode values
    selected = episode_values[top_idx.reshape(-1)].reshape(query.shape[0], k, -1)
    retrieved = jnp.sum(weights[..., None] * selected, axis=-2)  # [B, D]
    projected = retrieved @ Wv.T
    gate_input = jnp.concatenate([query, projected], axis=-1)
    gate_val = jax.nn.sigmoid(gate_input @ Wg.T + bg)
    return gate_val * projected

if __name__ == "__main__":
    import jax
    _d = setup_inputs()
    print(jax.jit(kernel)(*tuple(_d.values())))

</pallas_src>

<mosaic_0001>
#map = affine_map<(d0, d1) -> (0, 0)>
module attributes {stable_mosaic.version = 14 : i64} {
  func.func @gather_k(%arg0: i32, %arg1: i32, %arg2: memref<100000x128xf32, #tpu.memory_space<hbm>>, %arg3: memref<64x128xi32, #tpu.memory_space<hbm>>, %arg4: memref<8192x128xf32, #tpu.memory_space<hbm>>, %arg5: memref<2x128xi32, #tpu.memory_space<vmem>>, %arg6: memref<256x128xf32, #tpu.memory_space<vmem>>, %arg7: memref<!tpu.dma_semaphore, #tpu.memory_space<semaphore_mem>>) attributes {dimension_semantics = [#tpu.dimension_semantics<core_parallel>, #tpu.dimension_semantics<subcore_parallel>], iteration_bounds = array<i64: 2, 16>, scalar_prefetch = 0 : i64, scratch_operands = 3 : i64, tpu.core_type = #tpu.core_type<sc_vector_subcore>, window_params = [{transform_indices = #map}, {transform_indices = #map}, {transform_indices = #map}]} {
    %mul3A = arith.constant 2 : i32
    %mul3A_0 = arith.muli %arg1, %mul3A : i32
    %add3A = arith.addi %mul3A_0, %arg0 : i32
    %mul3A_1 = arith.constant 2 : i32
    %mul3A_2 = arith.muli %add3A, %mul3A_1 : i32
    "tpu.region"() ({
      %run_scoped3A = tpu.sem_alloc : memref<!tpu.dma_semaphore, #tpu.memory_space<semaphore_mem>>
      %dma_start3A_43 = arith.constant 0 : i32
      %dma_start3A_44 = tpu.memref_slice %arg3[%mul3A_2, %dma_start3A_43] : memref<64x128xi32, #tpu.memory_space<hbm>> -> memref<2x128xi32, #tpu.memory_space<hbm>>
      %dma_start3A_45 = arith.constant 0 : i32
      %dma_start3A_46 = tpu.memref_slice %arg3[%mul3A_2, %dma_start3A_45] : memref<64x128xi32, #tpu.memory_space<hbm>> -> memref<2x128xi32, #tpu.memory_space<hbm>>
      tpu.enqueue_dma source(%dma_start3A_46 : memref<2x128xi32, #tpu.memory_space<hbm>>) target(%arg5 : memref<2x128xi32, #tpu.memory_space<vmem>>) target_semaphore(%run_scoped3A : memref<!tpu.dma_semaphore, #tpu.memory_space<semaphore_mem>>)
      %dma_wait3A_47 = arith.constant 0 : i32
      %dma_wait3A_48 = tpu.memref_slice %arg3[%mul3A_2, %dma_wait3A_47] : memref<64x128xi32, #tpu.memory_space<hbm>> -> memref<2x128xi32, #tpu.memory_space<hbm>>
      %dma_wait3A_49 = arith.constant 0 : i32
      %dma_wait3A_50 = tpu.memref_slice %arg3[%mul3A_2, %dma_wait3A_49] : memref<64x128xi32, #tpu.memory_space<hbm>> -> memref<2x128xi32, #tpu.memory_space<hbm>>
      tpu.wait_dma2 semaphore(%run_scoped3A : memref<!tpu.dma_semaphore, #tpu.memory_space<semaphore_mem>>) src(%dma_wait3A_50 : memref<2x128xi32, #tpu.memory_space<hbm>>) dst(%arg5 : memref<2x128xi32, #tpu.memory_space<vmem>>)
      tpu.yield
    }) : () -> ()
    %dma_start3A = arith.constant 0 : i32
    %dma_start3A_3 = arith.constant 0 : i32
    %dma_start3A_4 = arith.constant 0 : i32
    %dma_start3A_5 = tpu.memref_slice %arg6[%dma_start3A_3, %dma_start3A_4] : memref<256x128xf32, #tpu.memory_space<vmem>> -> memref<128x128xf32, #tpu.memory_space<vmem>>
    %dma_start3A_6 = arith.constant 0 : i32
    %dma_start3A_7 = tpu.memref_slice %arg5[%dma_start3A, %dma_start3A_6] : memref<2x128xi32, #tpu.memory_space<vmem>> -> memref<1x128xi32, #tpu.memory_space<vmem>>
    %dma_start3A_8 = tpu.memref_squeeze %dma_start3A_7 : memref<1x128xi32, #tpu.memory_space<vmem>> -> memref<128xi32, #tpu.memory_space<vmem>>
    %dma_start3A_9 = arith.constant 0 : i32
    %dma_start3A_10 = arith.constant 0 : i32
    %dma_start3A_11 = tpu.memref_slice %arg2[%dma_start3A_9, %dma_start3A_10] : memref<100000x128xf32, #tpu.memory_space<hbm>> -> memref<100000x128xf32, #tpu.memory_space<hbm>>
    tpu.enqueue_indirect_dma source(%dma_start3A_11 : memref<100000x128xf32, #tpu.memory_space<hbm>>) target(%dma_start3A_5 : memref<128x128xf32, #tpu.memory_space<vmem>>) offsets(%dma_start3A_8 : memref<128xi32, #tpu.memory_space<vmem>>) semaphore(%arg7 : memref<!tpu.dma_semaphore, #tpu.memory_space<semaphore_mem>>)
    %dma_start3A_12 = arith.constant 1 : i32
    %dma_start3A_13 = arith.constant 128 : i32
    %dma_start3A_14 = arith.constant 0 : i32
    %dma_start3A_15 = tpu.memref_slice %arg6[%dma_start3A_13, %dma_start3A_14] : memref<256x128xf32, #tpu.memory_space<vmem>> -> memref<128x128xf32, #tpu.memory_space<vmem>>
    %dma_start3A_16 = arith.constant 0 : i32
    %dma_start3A_17 = tpu.memref_slice %arg5[%dma_start3A_12, %dma_start3A_16] : memref<2x128xi32, #tpu.memory_space<vmem>> -> memref<1x128xi32, #tpu.memory_space<vmem>>
    %dma_start3A_18 = tpu.memref_squeeze %dma_start3A_17 : memref<1x128xi32, #tpu.memory_space<vmem>> -> memref<128xi32, #tpu.memory_space<vmem>>
    %dma_start3A_19 = arith.constant 0 : i32
    %dma_start3A_20 = arith.constant 0 : i32
    %dma_start3A_21 = tpu.memref_slice %arg2[%dma_start3A_19, %dma_start3A_20] : memref<100000x128xf32, #tpu.memory_space<hbm>> -> memref<100000x128xf32, #tpu.memory_space<hbm>>
    tpu.enqueue_indirect_dma source(%dma_start3A_21 : memref<100000x128xf32, #tpu.memory_space<hbm>>) target(%dma_start3A_15 : memref<128x128xf32, #tpu.memory_space<vmem>>) offsets(%dma_start3A_18 : memref<128xi32, #tpu.memory_space<vmem>>) semaphore(%arg7 : memref<!tpu.dma_semaphore, #tpu.memory_space<semaphore_mem>>)
    %dma_wait3A = arith.constant 0 : i32
    %dma_wait3A_22 = arith.constant 0 : i32
    %dma_wait3A_23 = arith.constant 0 : i32
    %dma_wait3A_24 = tpu.memref_slice %arg6[%dma_wait3A_22, %dma_wait3A_23] : memref<256x128xf32, #tpu.memory_space<vmem>> -> memref<128x128xf32, #tpu.memory_space<vmem>>
    %dma_wait3A_25 = arith.constant 0 : i32
    %dma_wait3A_26 = tpu.memref_slice %arg5[%dma_wait3A, %dma_wait3A_25] : memref<2x128xi32, #tpu.memory_space<vmem>> -> memref<1x128xi32, #tpu.memory_space<vmem>>
    %dma_wait3A_27 = tpu.memref_squeeze %dma_wait3A_26 : memref<1x128xi32, #tpu.memory_space<vmem>> -> memref<128xi32, #tpu.memory_space<vmem>>
    %dma_wait3A_28 = arith.constant 0 : i32
    %dma_wait3A_29 = arith.constant 0 : i32
    %dma_wait3A_30 = tpu.memref_slice %arg2[%dma_wait3A_28, %dma_wait3A_29] : memref<100000x128xf32, #tpu.memory_space<hbm>> -> memref<100000x128xf32, #tpu.memory_space<hbm>>
    tpu.wait_indirect_dma semaphore(%arg7 : memref<!tpu.dma_semaphore, #tpu.memory_space<semaphore_mem>>) src(%dma_wait3A_30 : memref<100000x128xf32, #tpu.memory_space<hbm>>) dst(%dma_wait3A_24 : memref<128x128xf32, #tpu.memory_space<vmem>>)
    %dma_wait3A_31 = arith.constant 1 : i32
    %dma_wait3A_32 = arith.constant 128 : i32
    %dma_wait3A_33 = arith.constant 0 : i32
    %dma_wait3A_34 = tpu.memref_slice %arg6[%dma_wait3A_32, %dma_wait3A_33] : memref<256x128xf32, #tpu.memory_space<vmem>> -> memref<128x128xf32, #tpu.memory_space<vmem>>
    %dma_wait3A_35 = arith.constant 0 : i32
    %dma_wait3A_36 = tpu.memref_slice %arg5[%dma_wait3A_31, %dma_wait3A_35] : memref<2x128xi32, #tpu.memory_space<vmem>> -> memref<1x128xi32, #tpu.memory_space<vmem>>
    %dma_wait3A_37 = tpu.memref_squeeze %dma_wait3A_36 : memref<1x128xi32, #tpu.memory_space<vmem>> -> memref<128xi32, #tpu.memory_space<vmem>>
    %dma_wait3A_38 = arith.constant 0 : i32
    %dma_wait3A_39 = arith.constant 0 : i32
    %dma_wait3A_40 = tpu.memref_slice %arg2[%dma_wait3A_38, %dma_wait3A_39] : memref<100000x128xf32, #tpu.memory_space<hbm>> -> memref<100000x128xf32, #tpu.memory_space<hbm>>
    tpu.wait_indirect_dma semaphore(%arg7 : memref<!tpu.dma_semaphore, #tpu.memory_space<semaphore_mem>>) src(%dma_wait3A_40 : memref<100000x128xf32, #tpu.memory_space<hbm>>) dst(%dma_wait3A_34 : memref<128x128xf32, #tpu.memory_space<vmem>>)
    %mul3A_41 = arith.constant 256 : i32
    %mul3A_42 = arith.muli %add3A, %mul3A_41 : i32
    "tpu.region"() ({
      %run_scoped3A = tpu.sem_alloc : memref<!tpu.dma_semaphore, #tpu.memory_space<semaphore_mem>>
      %dma_start3A_43 = arith.constant 0 : i32
      %dma_start3A_44 = tpu.memref_slice %arg4[%mul3A_42, %dma_start3A_43] : memref<8192x128xf32, #tpu.memory_space<hbm>> -> memref<256x128xf32, #tpu.memory_space<hbm>>
      %dma_start3A_45 = arith.constant 0 : i32
      %dma_start3A_46 = tpu.memref_slice %arg4[%mul3A_42, %dma_start3A_45] : memref<8192x128xf32, #tpu.memory_space<hbm>> -> memref<256x128xf32, #tpu.memory_space<hbm>>
      tpu.enqueue_dma source(%arg6 : memref<256x128xf32, #tpu.memory_space<vmem>>) target(%dma_start3A_46 : memref<256x128xf32, #tpu.memory_space<hbm>>) target_semaphore(%run_scoped3A : memref<!tpu.dma_semaphore, #tpu.memory_space<semaphore_mem>>)
      %dma_wait3A_47 = arith.constant 0 : i32
      %dma_wait3A_48 = tpu.memref_slice %arg4[%mul3A_42, %dma_wait3A_47] : memref<8192x128xf32, #tpu.memory_space<hbm>> -> memref<256x128xf32, #tpu.memory_space<hbm>>
      %dma_wait3A_49 = arith.constant 0 : i32
      %dma_wait3A_50 = tpu.memref_slice %arg4[%mul3A_42, %dma_wait3A_49] : memref<8192x128xf32, #tpu.memory_space<hbm>> -> memref<256x128xf32, #tpu.memory_space<hbm>>
      tpu.wait_dma2 semaphore(%run_scoped3A : memref<!tpu.dma_semaphore, #tpu.memory_space<semaphore_mem>>) src(%arg6 : memref<256x128xf32, #tpu.memory_space<vmem>>) dst(%dma_wait3A_50 : memref<256x128xf32, #tpu.memory_space<hbm>>)
      tpu.yield
    }) : () -> ()
    return
  }
}

module attributes {stable_mosaic.version = 14 : i64} {
  func.func @_topk_body(%arg0: i32, %arg1: memref<1024x128xf32, #tpu.memory_space<vmem>>, %arg2: memref<128x128xf32, #tpu.memory_space<vmem>>, %arg3: memref<4000x128xf32, #tpu.memory_space<vmem>>, %arg4: memref<1x1024x8xf32, #tpu.memory_space<vmem>>, %arg5: memref<1x1024x8xf32, #tpu.memory_space<vmem>>, %arg6: memref<1024x128xf32, #tpu.memory_space<vmem>>) attributes {dimension_semantics = [#tpu.dimension_semantics<arbitrary>], iteration_bounds = array<i64: 25>, scalar_prefetch = 0 : i64, scratch_operands = 1 : i64, tpu.core_type = #tpu.core_type<tc>, window_params = [{pipeline_mode = #tpu.pipeline_mode<synchronous>, transform_indices = @transform_0, window_bounds = array<i64: 1024, 128>}, {pipeline_mode = #tpu.pipeline_mode<synchronous>, transform_indices = @transform_1, window_bounds = array<i64: 128, 128>}, {transform_indices = @transform_2, window_bounds = array<i64: 4000, 128>}, {transform_indices = @transform_3, window_bounds = array<i64: 1, 1024, 8>}, {transform_indices = @transform_4, window_bounds = array<i64: 1, 1024, 8>}]} {
    %eq3A = arith.constant 0 : i32
    %eq3A_0 = arith.cmpi eq, %arg0, %eq3A : i32
    %convert_element_type3A = arith.extui %eq3A_0 : i1 to i32
    %cond3A = arith.constant 0 : i32
    %cond3A_1 = arith.cmpi ne, %convert_element_type3A, %cond3A : i32
    scf.if %cond3A_1 {
      %get3A_177 = arith.constant 0 : index
      %get3A_178 = arith.constant 0 : index
      %get3A_179 = vector.load %arg1[%get3A_177, %get3A_178] : memref<1024x128xf32, #tpu.memory_space<vmem>>, vector<1024x128xf32>
      %get3A_180 = arith.constant 0 : index
      %get3A_181 = arith.constant 0 : index
      %get3A_182 = vector.load %arg2[%get3A_180, %get3A_181] : memref<128x128xf32, #tpu.memory_space<vmem>>, vector<128x128xf32>
      %dot_general3A_183 = arith.constant dense<0.000000e+00> : vector<1024x128xf32>
      %dot_general3A_184 = tpu.matmul %get3A_179, %get3A_182, %dot_general3A_183 {dimension_numbers = #tpu.dot_dimension_numbers<[1], [1], [0], [0], [0, 0, 1, 0], [], []>, transpose_lhs_hint = false} : vector<1024x128xf32>, vector<128x128xf32>, vector<1024x128xf32> -> vector<1024x128xf32>
      %mul3A_185 = arith.mulf %dot_general3A_184, %dot_general3A_184 : vector<1024x128xf32>
      %reduce_sum3A_186 = arith.constant dense<0.000000e+00> : vector<1024xf32>
      %reduce_sum3A_187 = vector.multi_reduction <add>, %mul3A_185, %reduce_sum3A_186 [1] : vector<1024x128xf32> to vector<1024xf32>
      %broadcast_in_dim3A_188 = vector.shape_cast %reduce_sum3A_187 : vector<1024xf32> to vector<1024x1xf32>
      %sqrt3A_189 = math.sqrt %broadcast_in_dim3A_188 : vector<1024x1xf32>
      %max3A_190 = arith.constant 9.99999996E-13 : f32
      %max3A_191 = vector.broadcast %max3A_190 : f32 to vector<1024x1xf32>
      %max3A_192 = arith.maximumf %sqrt3A_189, %max3A_191 : vector<1024x1xf32>
      %div3A_193 = vector.broadcast %max3A_192 : vector<1024x1xf32> to vector<1024x128xf32>
      %div3A_194 = arith.divf %dot_general3A_184, %div3A_193 : vector<1024x128xf32>
      %swap3A_195 = arith.constant 0 : index
      %swap3A_196 = arith.constant 0 : index
      %swap3A_197 = vector.load %arg6[%swap3A_195, %swap3A_196] : memref<1024x128xf32, #tpu.memory_space<vmem>>, vector<1024x128xf32>
      tpu.vector_store %arg6[%swap3A_195, %swap3A_196], %div3A_194 {strides = array<i32>} : memref<1024x128xf32, #tpu.memory_space<vmem>>, vector<1024x128xf32>,
    } else {
    }
    %get3A = arith.constant 0 : index
    %get3A_2 = arith.constant 0 : index
    %get3A_3 = vector.load %arg3[%get3A, %get3A_2] : memref<4000x128xf32, #tpu.memory_space<vmem>>, vector<4000x128xf32>
    %mul3A = arith.mulf %get3A_3, %get3A_3 : vector<4000x128xf32>
    %reduce_sum3A = arith.constant dense<0.000000e+00> : vector<4000xf32>
    %reduce_sum3A_4 = vector.multi_reduction <add>, %mul3A, %reduce_sum3A [1] : vector<4000x128xf32> to vector<4000xf32>
    %broadcast_in_dim3A = vector.shape_cast %reduce_sum3A_4 : vector<4000xf32> to vector<4000x1xf32>
    %sqrt3A = math.sqrt %broadcast_in_dim3A : vector<4000x1xf32>
    %max3A = arith.constant 9.99999996E-13 : f32
    %max3A_5 = vector.broadcast %max3A : f32 to vector<4000x1xf32>
    %max3A_6 = arith.maximumf %sqrt3A, %max3A_5 : vector<4000x1xf32>
    %div3A = vector.broadcast %max3A_6 : vector<4000x1xf32> to vector<4000x128xf32>
    %div3A_7 = arith.divf %get3A_3, %div3A : vector<4000x128xf32>
    %get3A_8 = arith.constant 0 : index
    %get3A_9 = arith.constant 0 : index
    %get3A_10 = vector.load %arg6[%get3A_8, %get3A_9] : memref<1024x128xf32, #tpu.memory_space<vmem>>, vector<1024x128xf32>
    %dot_general3A = arith.constant dense<0.000000e+00> : vector<1024x4000xf32>
    %dot_general3A_11 = tpu.matmul %get3A_10, %div3A_7, %dot_general3A {dimension_numbers = #tpu.dot_dimension_numbers<[1], [1], [0], [0], [0, 0, 1, 0], [], []>, transpose_lhs_hint = false} : vector<1024x128xf32>, vector<4000x128xf32>, vector<1024x4000xf32> -> vector<1024x4000xf32>
    %iota3A = tpu.iota {dimensions = array<i32: 1>} : vector<1024x4000xi32>
    %convert_element_type3A_12 = arith.sitofp %iota3A : vector<1024x4000xi32> to vector<1024x4000xf32>
    %mul3A_13 = arith.constant 4000 : i32
    %mul3A_14 = arith.muli %arg0, %mul3A_13 : i32
    %convert_element_type3A_15 = arith.sitofp %mul3A_14 : i32 to f32
    %reduce_max3A = arith.constant dense<0xFF800000> : vector<1024xf32>
    %reduce_max3A_16 = vector.multi_reduction <maximumf>, %dot_general3A_11, %reduce_max3A [1] : vector<1024x4000xf32> to vector<1024xf32>
    %broadcast_in_dim3A_17 = vector.shape_cast %reduce_max3A_16 : vector<1024xf32> to vector<1024x1xf32>
    %eq3A_18 = vector.broadcast %broadcast_in_dim3A_17 : vector<1024x1xf32> to vector<1024x4000xf32>
    %eq3A_19 = arith.cmpf oeq, %dot_general3A_11, %eq3A_18 : vector<1024x4000xf32>
    %jit3A = arith.constant 1.000000e+09 : f32
    %broadcast_in_dim3A_20 = vector.broadcast %jit3A : f32 to vector<1024x4000xf32>
    %select_n3A = arith.select %eq3A_19, %convert_element_type3A_12, %broadcast_in_dim3A_20 : vector<1024x4000xi1>, vector<1024x4000xf32>
    %reduce_min3A = arith.constant dense<0x7F800000> : vector<1024xf32>
    %reduce_min3A_21 = vector.multi_reduction <minimumf>, %select_n3A, %reduce_min3A [1] : vector<1024x4000xf32> to vector<1024xf32>
    %broadcast_in_dim3A_22 = vector.shape_cast %reduce_max3A_16 : vector<1024xf32> to vector<1024x1xf32>
    %broadcast_in_dim3A_23 = vector.shape_cast %reduce_min3A_21 : vector<1024xf32> to vector<1024x1xf32>
    %add3A = vector.broadcast %convert_element_type3A_15 : f32 to vector<1024x1xf32>
    %add3A_24 = arith.addf %broadcast_in_dim3A_23, %add3A : vector<1024x1xf32>
    %broadcast_in_dim3A_25 = vector.shape_cast %reduce_min3A_21 : vector<1024xf32> to vector<1024x1xf32>
    %eq3A_26 = vector.broadcast %broadcast_in_dim3A_25 : vector<1024x1xf32> to vector<1024x4000xf32>
    %eq3A_27 = arith.cmpf oeq, %convert_element_type3A_12, %eq3A_26 : vector<1024x4000xf32>
    %jit3A_28 = arith.constant -1.000000e+30 : f32
    %broadcast_in_dim3A_29 = vector.broadcast %jit3A_28 : f32 to vector<1024x4000xf32>
    %select_n3A_30 = arith.select %eq3A_27, %broadcast_in_dim3A_29, %dot_general3A_11 : vector<1024x4000xi1>, vector<1024x4000xf32>
    %reduce_max3A_31 = arith.constant dense<0xFF800000> : vector<1024xf32>
    %reduce_max3A_32 = vector.multi_reduction <maximumf>, %select_n3A_30, %reduce_max3A_31 [1] : vector<1024x4000xf32> to vector<1024xf32>
    %broadcast_in_dim3A_33 = vector.shape_cast %reduce_max3A_32 : vector<1024xf32> to vector<1024x1xf32>
    %eq3A_34 = vector.broadcast %broadcast_in_dim3A_33 : vector<1024x1xf32> to vector<1024x4000xf32>
    %eq3A_35 = arith.cmpf oeq, %select_n3A_30, %eq3A_34 : vector<1024x4000xf32>
    %jit3A_36 = arith.constant 1.000000e+09 : f32
    %broadcast_in_dim3A_37 = vector.broadcast %jit3A_36 : f32 to vector<1024x4000xf32>
    %select_n3A_38 = arith.select %eq3A_35, %convert_element_type3A_12, %broadcast_in_dim3A_37 : vector<1024x4000xi1>, vector<1024x4000xf32>
    %reduce_min3A_39 = arith.constant dense<0x7F800000> : vector<1024xf32>
    %reduce_min3A_40 = vector.multi_reduction <minimumf>, %select_n3A_38, %reduce_min3A_39 [1] : vector<1024x4000xf32> to vector<1024xf32>
    %broadcast_in_dim3A_41 = vector.shape_cast %reduce_max3A_32 : vector<1024xf32> to vector<1024x1xf32>
    %broadcast_in_dim3A_42 = vector.shape_cast %reduce_min3A_40 : vector<1024xf32> to vector<1024x1xf32>
    %add3A_43 = vector.broadcast %convert_element_type3A_15 : f32 to vector<1024x1xf32>
    %add3A_44 = arith.addf %broadcast_in_dim3A_42, %add3A_43 : vector<1024x1xf32>
    %broadcast_in_dim3A_45 = vector.shape_cast %reduce_min3A_40 : vector<1024xf32> to vector<1024x1xf32>
    %eq3A_46 = vector.broadcast %broadcast_in_dim3A_45 : vector<1024x1xf32> to vector<1024x4000xf32>
    %eq3A_47 = arith.cmpf oeq, %convert_element_type3A_12, %eq3A_46 : vector<1024x4000xf32>
    %jit3A_48 = arith.constant -1.000000e+30 : f32
    %broadcast_in_dim3A_49 = vector.broadcast %jit3A_48 : f32 to vector<1024x4000xf32>
    %select_n3A_50 = arith.select %eq3A_47, %broadcast_in_dim3A_49, %select_n3A_30 : vector<1024x4000xi1>, vector<1024x4000xf32>
    %reduce_max3A_51 = arith.constant dense<0xFF800000> : vector<1024xf32>
    %reduce_max3A_52 = vector.multi_reduction <maximumf>, %select_n3A_50, %reduce_max3A_51 [1] : vector<1024x4000xf32> to vector<1024xf32>
    %broadcast_in_dim3A_53 = vector.shape_cast %reduce_max3A_52 : vector<1024xf32> to vector<1024x1xf32>
    %eq3A_54 = vector.broadcast %broadcast_in_dim3A_53 : vector<1024x1xf32> to vector<1024x4000xf32>
    %eq3A_55 = arith.cmpf oeq, %select_n3A_50, %eq3A_54 : vector<1024x4000xf32>
    %jit3A_56 = arith.constant 1.000000e+09 : f32
    %broadcast_in_dim3A_57 = vector.broadcast %jit3A_56 : f32 to vector<1024x4000xf32>
    %select_n3A_58 = arith.select %eq3A_55, %convert_element_type3A_12, %broadcast_in_dim3A_57 : vector<1024x4000xi1>, vector<1024x4000xf32>
    %reduce_min3A_59 = arith.constant dense<0x7F800000> : vector<1024xf32>
    %reduce_min3A_60 = vector.multi_reduction <minimumf>, %select_n3A_58, %reduce_min3A_59 [1] : vector<1024x4000xf32> to vector<1024xf32>
    %broadcast_in_dim3A_61 = vector.shape_cast %reduce_max3A_52 : vector<1024xf32> to vector<1024x1xf32>
    %broadcast_in_dim3A_62 = vector.shape_cast %reduce_min3A_60 : vector<1024xf32> to vector<1024x1xf32>
    %add3A_63 = vector.broadcast %convert_element_type3A_15 : f32 to vector<1024x1xf32>
    %add3A_64 = arith.addf %broadcast_in_dim3A_62, %add3A_63 : vector<1024x1xf32>
    %broadcast_in_dim3A_65 = vector.shape_cast %reduce_min3A_60 : vector<1024xf32> to vector<1024x1xf32>
    %eq3A_66 = vector.broadcast %broadcast_in_dim3A_65 : vector<1024x1xf32> to vector<1024x4000xf32>
    %eq3A_67 = arith.cmpf oeq, %convert_element_type3A_12, %eq3A_66 : vector<1024x4000xf32>
    %jit3A_68 = arith.constant -1.000000e+30 : f32
    %broadcast_in_dim3A_69 = vector.broadcast %jit3A_68 : f32 to vector<1024x4000xf32>
    %select_n3A_70 = arith.select %eq3A_67, %broadcast_in_dim3A_69, %select_n3A_50 : vector<1024x4000xi1>, vector<1024x4000xf32>
    %reduce_max3A_71 = arith.constant dense<0xFF800000> : vector<1024xf32>
    %reduce_max3A_72 = vector.multi_reduction <maximumf>, %select_n3A_70, %reduce_max3A_71 [1] : vector<1024x4000xf32> to vector<1024xf32>
    %broadcast_in_dim3A_73 = vector.shape_cast %reduce_max3A_72 : vector<1024xf32> to vector<1024x1xf32>
    %eq3A_74 = vector.broadcast %broadcast_in_dim3A_73 : vector<1024x1xf32> to vector<1024x4000xf32>
    %eq3A_75 = arith.cmpf oeq, %select_n3A_70, %eq3A_74 : vector<1024x4000xf32>
    %jit3A_76 = arith.constant 1.000000e+09 : f32
    %broadcast_in_dim3A_77 = vector.broadcast %jit3A_76 : f32 to vector<1024x4000xf32>
    %select_n3A_78 = arith.select %eq3A_75, %convert_element_type3A_12, %broadcast_in_dim3A_77 : vector<1024x4000xi1>, vector<1024x4000xf32>
    %reduce_min3A_79 = arith.constant dense<0x7F800000> : vector<1024xf32>
    %reduce_min3A_80 = vector.multi_reduction <minimumf>, %select_n3A_78, %reduce_min3A_79 [1] : vector<1024x4000xf32> to vector<1024xf32>
    %broadcast_in_dim3A_81 = vector.shape_cast %reduce_max3A_72 : vector<1024xf32> to vector<1024x1xf32>
    %broadcast_in_dim3A_82 = vector.shape_cast %reduce_min3A_80 : vector<1024xf32> to vector<1024x1xf32>
    %add3A_83 = vector.broadcast %convert_element_type3A_15 : f32 to vector<1024x1xf32>
    %add3A_84 = arith.addf %broadcast_in_dim3A_82, %add3A_83 : vector<1024x1xf32>
    %broadcast_in_dim3A_85 = vector.shape_cast %reduce_min3A_80 : vector<1024xf32> to vector<1024x1xf32>
    %eq3A_86 = vector.broadcast %broadcast_in_dim3A_85 : vector<1024x1xf32> to vector<1024x4000xf32>
    %eq3A_87 = arith.cmpf oeq, %convert_element_type3A_12, %eq3A_86 : vector<1024x4000xf32>
    %jit3A_88 = arith.constant -1.000000e+30 : f32
    %broadcast_in_dim3A_89 = vector.broadcast %jit3A_88 : f32 to vector<1024x4000xf32>
    %select_n3A_90 = arith.select %eq3A_87, %broadcast_in_dim3A_89, %select_n3A_70 : vector<1024x4000xi1>, vector<1024x4000xf32>
    %reduce_max3A_91 = arith.constant dense<0xFF800000> : vector<1024xf32>
    %reduce_max3A_92 = vector.multi_reduction <maximumf>, %select_n3A_90, %reduce_max3A_91 [1] : vector<1024x4000xf32> to vector<1024xf32>
    %broadcast_in_dim3A_93 = vector.shape_cast %reduce_max3A_92 : vector<1024xf32> to vector<1024x1xf32>
    %eq3A_94 = vector.broadcast %broadcast_in_dim3A_93 : vector<1024x1xf32> to vector<1024x4000xf32>
    %eq3A_95 = arith.cmpf oeq, %select_n3A_90, %eq3A_94 : vector<1024x4000xf32>
    %jit3A_96 = arith.constant 1.000000e+09 : f32
    %broadcast_in_dim3A_97 = vector.broadcast %jit3A_96 : f32 to vector<1024x4000xf32>
    %select_n3A_98 = arith.select %eq3A_95, %convert_element_type3A_12, %broadcast_in_dim3A_97 : vector<1024x4000xi1>, vector<1024x4000xf32>
    %reduce_min3A_99 = arith.constant dense<0x7F800000> : vector<1024xf32>
    %reduce_min3A_100 = vector.multi_reduction <minimumf>, %select_n3A_98, %reduce_min3A_99 [1] : vector<1024x4000xf32> to vector<1024xf32>
    %broadcast_in_dim3A_101 = vector.shape_cast %reduce_max3A_92 : vector<1024xf32> to vector<1024x1xf32>
    %broadcast_in_dim3A_102 = vector.shape_cast %reduce_min3A_100 : vector<1024xf32> to vector<1024x1xf32>
    %add3A_103 = vector.broadcast %convert_element_type3A_15 : f32 to vector<1024x1xf32>
    %add3A_104 = arith.addf %broadcast_in_dim3A_102, %add3A_103 : vector<1024x1xf32>
    %broadcast_in_dim3A_105 = vector.shape_cast %reduce_min3A_100 : vector<1024xf32> to vector<1024x1xf32>
    %eq3A_106 = vector.broadcast %broadcast_in_dim3A_105 : vector<1024x1xf32> to vector<1024x4000xf32>
    %eq3A_107 = arith.cmpf oeq, %convert_element_type3A_12, %eq3A_106 : vector<1024x4000xf32>
    %jit3A_108 = arith.constant -1.000000e+30 : f32
    %broadcast_in_dim3A_109 = vector.broadcast %jit3A_108 : f32 to vector<1024x4000xf32>
    %select_n3A_110 = arith.select %eq3A_107, %broadcast_in_dim3A_109, %select_n3A_90 : vector<1024x4000xi1>, vector<1024x4000xf32>
    %reduce_max3A_111 = arith.constant dense<0xFF800000> : vector<1024xf32>
    %reduce_max3A_112 = vector.multi_reduction <maximumf>, %select_n3A_110, %reduce_max3A_111 [1] : vector<1024x4000xf32> to vector<1024xf32>
    %broadcast_in_dim3A_113 = vector.shape_cast %reduce_max3A_112 : vector<1024xf32> to vector<1024x1xf32>
    %eq3A_114 = vector.broadcast %broadcast_in_dim3A_113 : vector<1024x1xf32> to vector<1024x4000xf32>
    %eq3A_115 = arith.cmpf oeq, %select_n3A_110, %eq3A_114 : vector<1024x4000xf32>
    %jit3A_116 = arith.constant 1.000000e+09 : f32
    %broadcast_in_dim3A_117 = vector.broadcast %jit3A_116 : f32 to vector<1024x4000xf32>
    %select_n3A_118 = arith.select %eq3A_115, %convert_element_type3A_12, %broadcast_in_dim3A_117 : vector<1024x4000xi1>, vector<1024x4000xf32>
    %reduce_min3A_119 = arith.constant dense<0x7F800000> : vector<1024xf32>
    %reduce_min3A_120 = vector.multi_reduction <minimumf>, %select_n3A_118, %reduce_min3A_119 [1] : vector<1024x4000xf32> to vector<1024xf32>
    %broadcast_in_dim3A_121 = vector.shape_cast %reduce_max3A_112 : vector<1024xf32> to vector<1024x1xf32>
    %broadcast_in_dim3A_122 = vector.shape_cast %reduce_min3A_120 : vector<1024xf32> to vector<1024x1xf32>
    %add3A_123 = vector.broadcast %convert_element_type3A_15 : f32 to vector<1024x1xf32>
    %add3A_124 = arith.addf %broadcast_in_dim3A_122, %add3A_123 : vector<1024x1xf32>
    %broadcast_in_dim3A_125 = vector.shape_cast %reduce_min3A_120 : vector<1024xf32> to vector<1024x1xf32>
    %eq3A_126 = vector.broadcast %broadcast_in_dim3A_125 : vector<1024x1xf32> to vector<1024x4000xf32>
    %eq3A_127 = arith.cmpf oeq, %convert_element_type3A_12, %eq3A_126 : vector<1024x4000xf32>
    %jit3A_128 = arith.constant -1.000000e+30 : f32
    %broadcast_in_dim3A_129 = vector.broadcast %jit3A_128 : f32 to vector<1024x4000xf32>
    %select_n3A_130 = arith.select %eq3A_127, %broadcast_in_dim3A_129, %select_n3A_110 : vector<1024x4000xi1>, vector<1024x4000xf32>
    %reduce_max3A_131 = arith.constant dense<0xFF800000> : vector<1024xf32>
    %reduce_max3A_132 = vector.multi_reduction <maximumf>, %select_n3A_130, %reduce_max3A_131 [1] : vector<1024x4000xf32> to vector<1024xf32>
    %broadcast_in_dim3A_133 = vector.shape_cast %reduce_max3A_132 : vector<1024xf32> to vector<1024x1xf32>
    %eq3A_134 = vector.broadcast %broadcast_in_dim3A_133 : vector<1024x1xf32> to vector<1024x4000xf32>
    %eq3A_135 = arith.cmpf oeq, %select_n3A_130, %eq3A_134 : vector<1024x4000xf32>
    %jit3A_136 = arith.constant 1.000000e+09 : f32
    %broadcast_in_dim3A_137 = vector.broadcast %jit3A_136 : f32 to vector<1024x4000xf32>
    %select_n3A_138 = arith.select %eq3A_135, %convert_element_type3A_12, %broadcast_in_dim3A_137 : vector<1024x4000xi1>, vector<1024x4000xf32>
    %reduce_min3A_139 = arith.constant dense<0x7F800000> : vector<1024xf32>
    %reduce_min3A_140 = vector.multi_reduction <minimumf>, %select_n3A_138, %reduce_min3A_139 [1] : vector<1024x4000xf32> to vector<1024xf32>
    %broadcast_in_dim3A_141 = vector.shape_cast %reduce_max3A_132 : vector<1024xf32> to vector<1024x1xf32>
    %broadcast_in_dim3A_142 = vector.shape_cast %reduce_min3A_140 : vector<1024xf32> to vector<1024x1xf32>
    %add3A_143 = vector.broadcast %convert_element_type3A_15 : f32 to vector<1024x1xf32>
    %add3A_144 = arith.addf %broadcast_in_dim3A_142, %add3A_143 : vector<1024x1xf32>
    %broadcast_in_dim3A_145 = vector.shape_cast %reduce_min3A_140 : vector<1024xf32> to vector<1024x1xf32>
    %eq3A_146 = vector.broadcast %broadcast_in_dim3A_145 : vector<1024x1xf32> to vector<1024x4000xf32>
    %eq3A_147 = arith.cmpf oeq, %convert_element_type3A_12, %eq3A_146 : vector<1024x4000xf32>
    %jit3A_148 = arith.constant -1.000000e+30 : f32
    %broadcast_in_dim3A_149 = vector.broadcast %jit3A_148 : f32 to vector<1024x4000xf32>
    %select_n3A_150 = arith.select %eq3A_147, %broadcast_in_dim3A_149, %select_n3A_130 : vector<1024x4000xi1>, vector<1024x4000xf32>
    %reduce_max3A_151 = arith.constant dense<0xFF800000> : vector<1024xf32>
    %reduce_max3A_152 = vector.multi_reduction <maximumf>, %select_n3A_150, %reduce_max3A_151 [1] : vector<1024x4000xf32> to vector<1024xf32>
    %broadcast_in_dim3A_153 = vector.shape_cast %reduce_max3A_152 : vector<1024xf32> to vector<1024x1xf32>
    %eq3A_154 = vector.broadcast %broadcast_in_dim3A_153 : vector<1024x1xf32> to vector<1024x4000xf32>
    %eq3A_155 = arith.cmpf oeq, %select_n3A_150, %eq3A_154 : vector<1024x4000xf32>
    %jit3A_156 = arith.constant 1.000000e+09 : f32
    %broadcast_in_dim3A_157 = vector.broadcast %jit3A_156 : f32 to vector<1024x4000xf32>
    %select_n3A_158 = arith.select %eq3A_155, %convert_element_type3A_12, %broadcast_in_dim3A_157 : vector<1024x4000xi1>, vector<1024x4000xf32>
    %reduce_min3A_159 = arith.constant dense<0x7F800000> : vector<1024xf32>
    %reduce_min3A_160 = vector.multi_reduction <minimumf>, %select_n3A_158, %reduce_min3A_159 [1] : vector<1024x4000xf32> to vector<1024xf32>
    %broadcast_in_dim3A_161 = vector.shape_cast %reduce_max3A_152 : vector<1024xf32> to vector<1024x1xf32>
    %broadcast_in_dim3A_162 = vector.shape_cast %reduce_min3A_160 : vector<1024xf32> to vector<1024x1xf32>
    %add3A_163 = vector.broadcast %convert_element_type3A_15 : f32 to vector<1024x1xf32>
    %add3A_164 = arith.addf %broadcast_in_dim3A_162, %add3A_163 : vector<1024x1xf32>
    %concatenate3A = tpu.concatenate %broadcast_in_dim3A_22, %broadcast_in_dim3A_41, %broadcast_in_dim3A_61, %broadcast_in_dim3A_81, %broadcast_in_dim3A_101, %broadcast_in_dim3A_121, %broadcast_in_dim3A_141, %broadcast_in_dim3A_161 in 1 : vector<1024x1xf32>, vector<1024x1xf32>, vector<1024x1xf32>, vector<1024x1xf32>, vector<1024x1xf32>, vector<1024x1xf32>, vector<1024x1xf32>, vector<1024x1xf32> -> vector<1024x8xf32>
    %swap3A = arith.constant 0 : index
    %swap3A_165 = arith.constant 0 : index
    %swap3A_166 = arith.constant 0 : index
    %swap3A_167 = vector.load %arg4[%swap3A, %swap3A_165, %swap3A_166] : memref<1x1024x8xf32, #tpu.memory_space<vmem>>, vector<1x1024x8xf32>
    %swap3A_168 = vector.shape_cast %swap3A_167 : vector<1x1024x8xf32> to vector<1024x8xf32>
    %swap3A_169 = vector.shape_cast %concatenate3A : vector<1024x8xf32> to vector<1x1024x8xf32>
    tpu.vector_store %arg4[%swap3A, %swap3A_165, %swap3A_166], %swap3A_169 {strides = array<i32>} : memref<1x1024x8xf32, #tpu.memory_space<vmem>>, vector<1x1024x8xf32>,
    %concatenate3A_170 = tpu.concatenate %add3A_24, %add3A_44, %add3A_64, %add3A_84, %add3A_104, %add3A_124, %add3A_144, %add3A_164 in 1 : vector<1024x1xf32>, vector<1024x1xf32>, vector<1024x1xf32>, vector<1024x1xf32>, vector<1024x1xf32>, vector<1024x1xf32>, vector<1024x1xf32>, vector<1024x1xf32> -> vector<1024x8xf32>
    %swap3A_171 = arith.constant 0 : index
    %swap3A_172 = arith.constant 0 : index
    %swap3A_173 = arith.constant 0 : index
    %swap3A_174 = vector.load %arg5[%swap3A_171, %swap3A_172, %swap3A_173] : memref<1x1024x8xf32, #tpu.memory_space<vmem>>, vector<1x1024x8xf32>
    %swap3A_175 = vector.shape_cast %swap3A_174 : vector<1x1024x8xf32> to vector<1024x8xf32>
    %swap3A_176 = vector.shape_cast %concatenate3A_170 : vector<1024x8xf32> to vector<1x1024x8xf32>
    tpu.vector_store %arg5[%swap3A_171, %swap3A_172, %swap3A_173], %swap3A_176 {strides = array<i32>} : memref<1x1024x8xf32, #tpu.memory_space<vmem>>, vector<1x1024x8xf32>,
    return
  }
  func.func @transform_0(%arg0: i32) -> (i32, i32) {
    %c0_i32 = arith.constant 0 : i32
    %c0_i32_0 = arith.constant 0 : i32
    %c0_i32_1 = arith.constant 0 : i32
    return %c0_i32, %c0_i32_0 : i32, i32
  }
  func.func @transform_1(%arg0: i32) -> (i32, i32) {
    %c0_i32 = arith.constant 0 : i32
    %c0_i32_0 = arith.constant 0 : i32
    %c0_i32_1 = arith.constant 0 : i32
    return %c0_i32, %c0_i32_0 : i32, i32
  }
  func.func @transform_2(%arg0: i32) -> (i32, i32) {
    %c0_i32 = arith.constant 0 : i32
    %c0_i32_0 = arith.constant 0 : i32
    return %arg0, %c0_i32 : i32, i32
  }
  func.func @transform_3(%arg0: i32) -> (i32, i32, i32) {
    %c0_i32 = arith.constant 0 : i32
    %c0_i32_0 = arith.constant 0 : i32
    %c0_i32_1 = arith.constant 0 : i32
    return %arg0, %c0_i32, %c0_i32_0 : i32, i32, i32
  }
  func.func @transform_4(%arg0: i32) -> (i32, i32, i32) {
    %c0_i32 = arith.constant 0 : i32
    %c0_i32_0 = arith.constant 0 : i32
    %c0_i32_1 = arith.constant 0 : i32
    return %arg0, %c0_i32, %c0_i32_0 : i32, i32, i32
  }
}

module attributes {stable_mosaic.version = 14 : i64} {
  func.func @_select_body(%arg0: memref<1024x200xf32, #tpu.memory_space<vmem>>, %arg1: memref<1024x200xf32, #tpu.memory_space<vmem>>, %arg2: memref<1024x8xf32, #tpu.memory_space<vmem>>, %arg3: memref<1024x8xi32, #tpu.memory_space<vmem>>) attributes {dimension_semantics = [], scalar_prefetch = 0 : i64, scratch_operands = 0 : i64, tpu.core_type = #tpu.core_type<tc>} {
    %get3A = arith.constant 0 : index
    %get3A_0 = arith.constant 0 : index
    %get3A_1 = vector.load %arg0[%get3A, %get3A_0] : memref<1024x200xf32, #tpu.memory_space<vmem>>, vector<1024x200xf32>
    %get3A_2 = arith.constant 0 : index
    %get3A_3 = arith.constant 0 : index
    %get3A_4 = vector.load %arg1[%get3A_2, %get3A_3] : memref<1024x200xf32, #tpu.memory_space<vmem>>, vector<1024x200xf32>
    %iota3A = tpu.iota {dimensions = array<i32: 1>} : vector<1024x200xi32>
    %convert_element_type3A = arith.sitofp %iota3A : vector<1024x200xi32> to vector<1024x200xf32>
    %reduce_max3A = arith.constant dense<0xFF800000> : vector<1024xf32>
    %reduce_max3A_5 = vector.multi_reduction <maximumf>, %get3A_1, %reduce_max3A [1] : vector<1024x200xf32> to vector<1024xf32>
    %broadcast_in_dim3A = vector.shape_cast %reduce_max3A_5 : vector<1024xf32> to vector<1024x1xf32>
    %eq3A = vector.broadcast %broadcast_in_dim3A : vector<1024x1xf32> to vector<1024x200xf32>
    %eq3A_6 = arith.cmpf oeq, %get3A_1, %eq3A : vector<1024x200xf32>
    %jit3A = arith.constant 1.000000e+09 : f32
    %broadcast_in_dim3A_7 = vector.broadcast %jit3A : f32 to vector<1024x200xf32>
    %select_n3A = arith.select %eq3A_6, %convert_element_type3A, %broadcast_in_dim3A_7 : vector<1024x200xi1>, vector<1024x200xf32>
    %reduce_min3A = arith.constant dense<0x7F800000> : vector<1024xf32>
    %reduce_min3A_8 = vector.multi_reduction <minimumf>, %select_n3A, %reduce_min3A [1] : vector<1024x200xf32> to vector<1024xf32>
    %broadcast_in_dim3A_9 = vector.shape_cast %reduce_min3A_8 : vector<1024xf32> to vector<1024x1xf32>
    %eq3A_10 = vector.broadcast %broadcast_in_dim3A_9 : vector<1024x1xf32> to vector<1024x200xf32>
    %eq3A_11 = arith.cmpf oeq, %convert_element_type3A, %eq3A_10 : vector<1024x200xf32>
    %broadcast_in_dim3A_12 = vector.shape_cast %reduce_max3A_5 : vector<1024xf32> to vector<1024x1xf32>
    %jit3A_13 = arith.constant -1.000000e+00 : f32
    %broadcast_in_dim3A_14 = vector.broadcast %jit3A_13 : f32 to vector<1024x200xf32>
    %select_n3A_15 = arith.select %eq3A_11, %get3A_4, %broadcast_in_dim3A_14 : vector<1024x200xi1>, vector<1024x200xf32>
    %reduce_max3A_16 = arith.constant dense<0xFF800000> : vector<1024xf32>
    %reduce_max3A_17 = vector.multi_reduction <maximumf>, %select_n3A_15, %reduce_max3A_16 [1] : vector<1024x200xf32> to vector<1024xf32>
    %broadcast_in_dim3A_18 = vector.shape_cast %reduce_max3A_17 : vector<1024xf32> to vector<1024x1xf32>
    %jit3A_19 = arith.constant -1.000000e+30 : f32
    %broadcast_in_dim3A_20 = vector.broadcast %jit3A_19 : f32 to vector<1024x200xf32>
    %select_n3A_21 = arith.select %eq3A_11, %broadcast_in_dim3A_20, %get3A_1 : vector<1024x200xi1>, vector<1024x200xf32>
    %reduce_max3A_22 = arith.constant dense<0xFF800000> : vector<1024xf32>
    %reduce_max3A_23 = vector.multi_reduction <maximumf>, %select_n3A_21, %reduce_max3A_22 [1] : vector<1024x200xf32> to vector<1024xf32>
    %broadcast_in_dim3A_24 = vector.shape_cast %reduce_max3A_23 : vector<1024xf32> to vector<1024x1xf32>
    %eq3A_25 = vector.broadcast %broadcast_in_dim3A_24 : vector<1024x1xf32> to vector<1024x200xf32>
    %eq3A_26 = arith.cmpf oeq, %select_n3A_21, %eq3A_25 : vector<1024x200xf32>
    %jit3A_27 = arith.constant 1.000000e+09 : f32
    %broadcast_in_dim3A_28 = vector.broadcast %jit3A_27 : f32 to vector<1024x200xf32>
    %select_n3A_29 = arith.select %eq3A_26, %convert_element_type3A, %broadcast_in_dim3A_28 : vector<1024x200xi1>, vector<1024x200xf32>
    %reduce_min3A_30 = arith.constant dense<0x7F800000> : vector<1024xf32>
    %reduce_min3A_31 = vector.multi_reduction <minimumf>, %select_n3A_29, %reduce_min3A_30 [1] : vector<1024x200xf32> to vector<1024xf32>
    %broadcast_in_dim3A_32 = vector.shape_cast %reduce_min3A_31 : vector<1024xf32> to vector<1024x1xf32>
    %eq3A_33 = vector.broadcast %broadcast_in_dim3A_32 : vector<1024x1xf32> to vector<1024x200xf32>
    %eq3A_34 = arith.cmpf oeq, %convert_element_type3A, %eq3A_33 : vector<1024x200xf32>
    %broadcast_in_dim3A_35 = vector.shape_cast %reduce_max3A_23 : vector<1024xf32> to vector<1024x1xf32>
    %jit3A_36 = arith.constant -1.000000e+00 : f32
    %broadcast_in_dim3A_37 = vector.broadcast %jit3A_36 : f32 to vector<1024x200xf32>
    %select_n3A_38 = arith.select %eq3A_34, %get3A_4, %broadcast_in_dim3A_37 : vector<1024x200xi1>, vector<1024x200xf32>
    %reduce_max3A_39 = arith.constant dense<0xFF800000> : vector<1024xf32>
    %reduce_max3A_40 = vector.multi_reduction <maximumf>, %select_n3A_38, %reduce_max3A_39 [1] : vector<1024x200xf32> to vector<1024xf32>
    %broadcast_in_dim3A_41 = vector.shape_cast %reduce_max3A_40 : vector<1024xf32> to vector<1024x1xf32>
    %jit3A_42 = arith.constant -1.000000e+30 : f32
    %broadcast_in_dim3A_43 = vector.broadcast %jit3A_42 : f32 to vector<1024x200xf32>
    %select_n3A_44 = arith.select %eq3A_34, %broadcast_in_dim3A_43, %select_n3A_21 : vector<1024x200xi1>, vector<1024x200xf32>
    %reduce_max3A_45 = arith.constant dense<0xFF800000> : vector<1024xf32>
    %reduce_max3A_46 = vector.multi_reduction <maximumf>, %select_n3A_44, %reduce_max3A_45 [1] : vector<1024x200xf32> to vector<1024xf32>
    %broadcast_in_dim3A_47 = vector.shape_cast %reduce_max3A_46 : vector<1024xf32> to vector<1024x1xf32>
    %eq3A_48 = vector.broadcast %broadcast_in_dim3A_47 : vector<1024x1xf32> to vector<1024x200xf32>
    %eq3A_49 = arith.cmpf oeq, %select_n3A_44, %eq3A_48 : vector<1024x200xf32>
    %jit3A_50 = arith.constant 1.000000e+09 : f32
    %broadcast_in_dim3A_51 = vector.broadcast %jit3A_50 : f32 to vector<1024x200xf32>
    %select_n3A_52 = arith.select %eq3A_49, %convert_element_type3A, %broadcast_in_dim3A_51 : vector<1024x200xi1>, vector<1024x200xf32>
    %reduce_min3A_53 = arith.constant dense<0x7F800000> : vector<1024xf32>
    %reduce_min3A_54 = vector.multi_reduction <minimumf>, %select_n3A_52, %reduce_min3A_53 [1] : vector<1024x200xf32> to vector<1024xf32>
    %broadcast_in_dim3A_55 = vector.shape_cast %reduce_min3A_54 : vector<1024xf32> to vector<1024x1xf32>
    %eq3A_56 = vector.broadcast %broadcast_in_dim3A_55 : vector<1024x1xf32> to vector<1024x200xf32>
    %eq3A_57 = arith.cmpf oeq, %convert_element_type3A, %eq3A_56 : vector<1024x200xf32>
    %broadcast_in_dim3A_58 = vector.shape_cast %reduce_max3A_46 : vector<1024xf32> to vector<1024x1xf32>
    %jit3A_59 = arith.constant -1.000000e+00 : f32
    %broadcast_in_dim3A_60 = vector.broadcast %jit3A_59 : f32 to vector<1024x200xf32>
    %select_n3A_61 = arith.select %eq3A_57, %get3A_4, %broadcast_in_dim3A_60 : vector<1024x200xi1>, vector<1024x200xf32>
    %reduce_max3A_62 = arith.constant dense<0xFF800000> : vector<1024xf32>
    %reduce_max3A_63 = vector.multi_reduction <maximumf>, %select_n3A_61, %reduce_max3A_62 [1] : vector<1024x200xf32> to vector<1024xf32>
    %broadcast_in_dim3A_64 = vector.shape_cast %reduce_max3A_63 : vector<1024xf32> to vector<1024x1xf32>
    %jit3A_65 = arith.constant -1.000000e+30 : f32
    %broadcast_in_dim3A_66 = vector.broadcast %jit3A_65 : f32 to vector<1024x200xf32>
    %select_n3A_67 = arith.select %eq3A_57, %broadcast_in_dim3A_66, %select_n3A_44 : vector<1024x200xi1>, vector<1024x200xf32>
    %reduce_max3A_68 = arith.constant dense<0xFF800000> : vector<1024xf32>
    %reduce_max3A_69 = vector.multi_reduction <maximumf>, %select_n3A_67, %reduce_max3A_68 [1] : vector<1024x200xf32> to vector<1024xf32>
    %broadcast_in_dim3A_70 = vector.shape_cast %reduce_max3A_69 : vector<1024xf32> to vector<1024x1xf32>
    %eq3A_71 = vector.broadcast %broadcast_in_dim3A_70 : vector<1024x1xf32> to vector<1024x200xf32>
    %eq3A_72 = arith.cmpf oeq, %select_n3A_67, %eq3A_71 : vector<1024x200xf32>
    %jit3A_73 = arith.constant 1.000000e+09 : f32
    %broadcast_in_dim3A_74 = vector.broadcast %jit3A_73 : f32 to vector<1024x200xf32>
    %select_n3A_75 = arith.select %eq3A_72, %convert_element_type3A, %broadcast_in_dim3A_74 : vector<1024x200xi1>, vector<1024x200xf32>
    %reduce_min3A_76 = arith.constant dense<0x7F800000> : vector<1024xf32>
    %reduce_min3A_77 = vector.multi_reduction <minimumf>, %select_n3A_75, %reduce_min3A_76 [1] : vector<1024x200xf32> to vector<1024xf32>
    %broadcast_in_dim3A_78 = vector.shape_cast %reduce_min3A_77 : vector<1024xf32> to vector<1024x1xf32>
    %eq3A_79 = vector.broadcast %broadcast_in_dim3A_78 : vector<1024x1xf32> to vector<1024x200xf32>
    %eq3A_80 = arith.cmpf oeq, %convert_element_type3A, %eq3A_79 : vector<1024x200xf32>
    %broadcast_in_dim3A_81 = vector.shape_cast %reduce_max3A_69 : vector<1024xf32> to vector<1024x1xf32>
    %jit3A_82 = arith.constant -1.000000e+00 : f32
    %broadcast_in_dim3A_83 = vector.broadcast %jit3A_82 : f32 to vector<1024x200xf32>
    %select_n3A_84 = arith.select %eq3A_80, %get3A_4, %broadcast_in_dim3A_83 : vector<1024x200xi1>, vector<1024x200xf32>
    %reduce_max3A_85 = arith.constant dense<0xFF800000> : vector<1024xf32>
    %reduce_max3A_86 = vector.multi_reduction <maximumf>, %select_n3A_84, %reduce_max3A_85 [1] : vector<1024x200xf32> to vector<1024xf32>
    %broadcast_in_dim3A_87 = vector.shape_cast %reduce_max3A_86 : vector<1024xf32> to vector<1024x1xf32>
    %jit3A_88 = arith.constant -1.000000e+30 : f32
    %broadcast_in_dim3A_89 = vector.broadcast %jit3A_88 : f32 to vector<1024x200xf32>
    %select_n3A_90 = arith.select %eq3A_80, %broadcast_in_dim3A_89, %select_n3A_67 : vector<1024x200xi1>, vector<1024x200xf32>
    %reduce_max3A_91 = arith.constant dense<0xFF800000> : vector<1024xf32>
    %reduce_max3A_92 = vector.multi_reduction <maximumf>, %select_n3A_90, %reduce_max3A_91 [1] : vector<1024x200xf32> to vector<1024xf32>
    %broadcast_in_dim3A_93 = vector.shape_cast %reduce_max3A_92 : vector<1024xf32> to vector<1024x1xf32>
    %eq3A_94 = vector.broadcast %broadcast_in_dim3A_93 : vector<1024x1xf32> to vector<1024x200xf32>
    %eq3A_95 = arith.cmpf oeq, %select_n3A_90, %eq3A_94 : vector<1024x200xf32>
    %jit3A_96 = arith.constant 1.000000e+09 : f32
    %broadcast_in_dim3A_97 = vector.broadcast %jit3A_96 : f32 to vector<1024x200xf32>
    %select_n3A_98 = arith.select %eq3A_95, %convert_element_type3A, %broadcast_in_dim3A_97 : vector<1024x200xi1>, vector<1024x200xf32>
    %reduce_min3A_99 = arith.constant dense<0x7F800000> : vector<1024xf32>
    %reduce_min3A_100 = vector.multi_reduction <minimumf>, %select_n3A_98, %reduce_min3A_99 [1] : vector<1024x200xf32> to vector<1024xf32>
    %broadcast_in_dim3A_101 = vector.shape_cast %reduce_min3A_100 : vector<1024xf32> to vector<1024x1xf32>
    %eq3A_102 = vector.broadcast %broadcast_in_dim3A_101 : vector<1024x1xf32> to vector<1024x200xf32>
    %eq3A_103 = arith.cmpf oeq, %convert_element_type3A, %eq3A_102 : vector<1024x200xf32>
    %broadcast_in_dim3A_104 = vector.shape_cast %reduce_max3A_92 : vector<1024xf32> to vector<1024x1xf32>
    %jit3A_105 = arith.constant -1.000000e+00 : f32
    %broadcast_in_dim3A_106 = vector.broadcast %jit3A_105 : f32 to vector<1024x200xf32>
    %select_n3A_107 = arith.select %eq3A_103, %get3A_4, %broadcast_in_dim3A_106 : vector<1024x200xi1>, vector<1024x200xf32>
    %reduce_max3A_108 = arith.constant dense<0xFF800000> : vector<1024xf32>
    %reduce_max3A_109 = vector.multi_reduction <maximumf>, %select_n3A_107, %reduce_max3A_108 [1] : vector<1024x200xf32> to vector<1024xf32>
    %broadcast_in_dim3A_110 = vector.shape_cast %reduce_max3A_109 : vector<1024xf32> to vector<1024x1xf32>
    %jit3A_111 = arith.constant -1.000000e+30 : f32
    %broadcast_in_dim3A_112 = vector.broadcast %jit3A_111 : f32 to vector<1024x200xf32>
    %select_n3A_113 = arith.select %eq3A_103, %broadcast_in_dim3A_112, %select_n3A_90 : vector<1024x200xi1>, vector<1024x200xf32>
    %reduce_max3A_114 = arith.constant dense<0xFF800000> : vector<1024xf32>
    %reduce_max3A_115 = vector.multi_reduction <maximumf>, %select_n3A_113, %reduce_max3A_114 [1] : vector<1024x200xf32> to vector<1024xf32>
    %broadcast_in_dim3A_116 = vector.shape_cast %reduce_max3A_115 : vector<1024xf32> to vector<1024x1xf32>
    %eq3A_117 = vector.broadcast %broadcast_in_dim3A_116 : vector<1024x1xf32> to vector<1024x200xf32>
    %eq3A_118 = arith.cmpf oeq, %select_n3A_113, %eq3A_117 : vector<1024x200xf32>
    %jit3A_119 = arith.constant 1.000000e+09 : f32
    %broadcast_in_dim3A_120 = vector.broadcast %jit3A_119 : f32 to vector<1024x200xf32>
    %select_n3A_121 = arith.select %eq3A_118, %convert_element_type3A, %broadcast_in_dim3A_120 : vector<1024x200xi1>, vector<1024x200xf32>
    %reduce_min3A_122 = arith.constant dense<0x7F800000> : vector<1024xf32>
    %reduce_min3A_123 = vector.multi_reduction <minimumf>, %select_n3A_121, %reduce_min3A_122 [1] : vector<1024x200xf32> to vector<1024xf32>
    %broadcast_in_dim3A_124 = vector.shape_cast %reduce_min3A_123 : vector<1024xf32> to vector<1024x1xf32>
    %eq3A_125 = vector.broadcast %broadcast_in_dim3A_124 : vector<1024x1xf32> to vector<1024x200xf32>
    %eq3A_126 = arith.cmpf oeq, %convert_element_type3A, %eq3A_125 : vector<1024x200xf32>
    %broadcast_in_dim3A_127 = vector.shape_cast %reduce_max3A_115 : vector<1024xf32> to vector<1024x1xf32>
    %jit3A_128 = arith.constant -1.000000e+00 : f32
    %broadcast_in_dim3A_129 = vector.broadcast %jit3A_128 : f32 to vector<1024x200xf32>
    %select_n3A_130 = arith.select %eq3A_126, %get3A_4, %broadcast_in_dim3A_129 : vector<1024x200xi1>, vector<1024x200xf32>
    %reduce_max3A_131 = arith.constant dense<0xFF800000> : vector<1024xf32>
    %reduce_max3A_132 = vector.multi_reduction <maximumf>, %select_n3A_130, %reduce_max3A_131 [1] : vector<1024x200xf32> to vector<1024xf32>
    %broadcast_in_dim3A_133 = vector.shape_cast %reduce_max3A_132 : vector<1024xf32> to vector<1024x1xf32>
    %jit3A_134 = arith.constant -1.000000e+30 : f32
    %broadcast_in_dim3A_135 = vector.broadcast %jit3A_134 : f32 to vector<1024x200xf32>
    %select_n3A_136 = arith.select %eq3A_126, %broadcast_in_dim3A_135, %select_n3A_113 : vector<1024x200xi1>, vector<1024x200xf32>
    %reduce_max3A_137 = arith.constant dense<0xFF800000> : vector<1024xf32>
    %reduce_max3A_138 = vector.multi_reduction <maximumf>, %select_n3A_136, %reduce_max3A_137 [1] : vector<1024x200xf32> to vector<1024xf32>
    %broadcast_in_dim3A_139 = vector.shape_cast %reduce_max3A_138 : vector<1024xf32> to vector<1024x1xf32>
    %eq3A_140 = vector.broadcast %broadcast_in_dim3A_139 : vector<1024x1xf32> to vector<1024x200xf32>
    %eq3A_141 = arith.cmpf oeq, %select_n3A_136, %eq3A_140 : vector<1024x200xf32>
    %jit3A_142 = arith.constant 1.000000e+09 : f32
    %broadcast_in_dim3A_143 = vector.broadcast %jit3A_142 : f32 to vector<1024x200xf32>
    %select_n3A_144 = arith.select %eq3A_141, %convert_element_type3A, %broadcast_in_dim3A_143 : vector<1024x200xi1>, vector<1024x200xf32>
    %reduce_min3A_145 = arith.constant dense<0x7F800000> : vector<1024xf32>
    %reduce_min3A_146 = vector.multi_reduction <minimumf>, %select_n3A_144, %reduce_min3A_145 [1] : vector<1024x200xf32> to vector<1024xf32>
    %broadcast_in_dim3A_147 = vector.shape_cast %reduce_min3A_146 : vector<1024xf32> to vector<1024x1xf32>
    %eq3A_148 = vector.broadcast %broadcast_in_dim3A_147 : vector<1024x1xf32> to vector<1024x200xf32>
    %eq3A_149 = arith.cmpf oeq, %convert_element_type3A, %eq3A_148 : vector<1024x200xf32>
    %broadcast_in_dim3A_150 = vector.shape_cast %reduce_max3A_138 : vector<1024xf32> to vector<1024x1xf32>
    %jit3A_151 = arith.constant -1.000000e+00 : f32
    %broadcast_in_dim3A_152 = vector.broadcast %jit3A_151 : f32 to vector<1024x200xf32>
    %select_n3A_153 = arith.select %eq3A_149, %get3A_4, %broadcast_in_dim3A_152 : vector<1024x200xi1>, vector<1024x200xf32>
    %reduce_max3A_154 = arith.constant dense<0xFF800000> : vector<1024xf32>
    %reduce_max3A_155 = vector.multi_reduction <maximumf>, %select_n3A_153, %reduce_max3A_154 [1] : vector<1024x200xf32> to vector<1024xf32>
    %broadcast_in_dim3A_156 = vector.shape_cast %reduce_max3A_155 : vector<1024xf32> to vector<1024x1xf32>
    %jit3A_157 = arith.constant -1.000000e+30 : f32
    %broadcast_in_dim3A_158 = vector.broadcast %jit3A_157 : f32 to vector<1024x200xf32>
    %select_n3A_159 = arith.select %eq3A_149, %broadcast_in_dim3A_158, %select_n3A_136 : vector<1024x200xi1>, vector<1024x200xf32>
    %reduce_max3A_160 = arith.constant dense<0xFF800000> : vector<1024xf32>
    %reduce_max3A_161 = vector.multi_reduction <maximumf>, %select_n3A_159, %reduce_max3A_160 [1] : vector<1024x200xf32> to vector<1024xf32>
    %broadcast_in_dim3A_162 = vector.shape_cast %reduce_max3A_161 : vector<1024xf32> to vector<1024x1xf32>
    %eq3A_163 = vector.broadcast %broadcast_in_dim3A_162 : vector<1024x1xf32> to vector<1024x200xf32>
    %eq3A_164 = arith.cmpf oeq, %select_n3A_159, %eq3A_163 : vector<1024x200xf32>
    %jit3A_165 = arith.constant 1.000000e+09 : f32
    %broadcast_in_dim3A_166 = vector.broadcast %jit3A_165 : f32 to vector<1024x200xf32>
    %select_n3A_167 = arith.select %eq3A_164, %convert_element_type3A, %broadcast_in_dim3A_166 : vector<1024x200xi1>, vector<1024x200xf32>
    %reduce_min3A_168 = arith.constant dense<0x7F800000> : vector<1024xf32>
    %reduce_min3A_169 = vector.multi_reduction <minimumf>, %select_n3A_167, %reduce_min3A_168 [1] : vector<1024x200xf32> to vector<1024xf32>
    %broadcast_in_dim3A_170 = vector.shape_cast %reduce_min3A_169 : vector<1024xf32> to vector<1024x1xf32>
    %eq3A_171 = vector.broadcast %broadcast_in_dim3A_170 : vector<1024x1xf32> to vector<1024x200xf32>
    %eq3A_172 = arith.cmpf oeq, %convert_element_type3A, %eq3A_171 : vector<1024x200xf32>
    %broadcast_in_dim3A_173 = vector.shape_cast %reduce_max3A_161 : vector<1024xf32> to vector<1024x1xf32>
    %jit3A_174 = arith.constant -1.000000e+00 : f32
    %broadcast_in_dim3A_175 = vector.broadcast %jit3A_174 : f32 to vector<1024x200xf32>
    %select_n3A_176 = arith.select %eq3A_172, %get3A_4, %broadcast_in_dim3A_175 : vector<1024x200xi1>, vector<1024x200xf32>
    %reduce_max3A_177 = arith.constant dense<0xFF800000> : vector<1024xf32>
    %reduce_max3A_178 = vector.multi_reduction <maximumf>, %select_n3A_176, %reduce_max3A_177 [1] : vector<1024x200xf32> to vector<1024xf32>
    %broadcast_in_dim3A_179 = vector.shape_cast %reduce_max3A_178 : vector<1024xf32> to vector<1024x1xf32>
    %concatenate3A = tpu.concatenate %broadcast_in_dim3A_12, %broadcast_in_dim3A_35, %broadcast_in_dim3A_58, %broadcast_in_dim3A_81, %broadcast_in_dim3A_104, %broadcast_in_dim3A_127, %broadcast_in_dim3A_150, %broadcast_in_dim3A_173 in 1 : vector<1024x1xf32>, vector<1024x1xf32>, vector<1024x1xf32>, vector<1024x1xf32>, vector<1024x1xf32>, vector<1024x1xf32>, vector<1024x1xf32>, vector<1024x1xf32> -> vector<1024x8xf32>
    %swap3A = arith.constant 0 : index
    %swap3A_180 = arith.constant 0 : index
    %swap3A_181 = vector.load %arg2[%swap3A, %swap3A_180] : memref<1024x8xf32, #tpu.memory_space<vmem>>, vector<1024x8xf32>
    tpu.vector_store %arg2[%swap3A, %swap3A_180], %concatenate3A {strides = array<i32>} : memref<1024x8xf32, #tpu.memory_space<vmem>>, vector<1024x8xf32>,
    %concatenate3A_182 = tpu.concatenate %broadcast_in_dim3A_18, %broadcast_in_dim3A_41, %broadcast_in_dim3A_64, %broadcast_in_dim3A_87, %broadcast_in_dim3A_110, %broadcast_in_dim3A_133, %broadcast_in_dim3A_156, %broadcast_in_dim3A_179 in 1 : vector<1024x1xf32>, vector<1024x1xf32>, vector<1024x1xf32>, vector<1024x1xf32>, vector<1024x1xf32>, vector<1024x1xf32>, vector<1024x1xf32>, vector<1024x1xf32> -> vector<1024x8xf32>
    %convert_element_type3A_183 = arith.fptosi %concatenate3A_182 : vector<1024x8xf32> to vector<1024x8xi32>
    %swap3A_184 = arith.constant 0 : index
    %swap3A_185 = arith.constant 0 : index
    %swap3A_186 = vector.load %arg3[%swap3A_184, %swap3A_185] : memref<1024x8xi32, #tpu.memory_space<vmem>>, vector<1024x8xi32>
    tpu.vector_store %arg3[%swap3A_184, %swap3A_185], %convert_element_type3A_183 {strides = array<i32>} : memref<1024x8xi32, #tpu.memory_space<vmem>>, vector<1024x8xi32>,
    return
  }
}

module attributes {stable_mosaic.version = 14 : i64} {
  func.func @_tail_body(%arg0: memref<1024x128xf32, #tpu.memory_space<vmem>>, %arg1: memref<1024x8xf32, #tpu.memory_space<vmem>>, %arg2: memref<128x128xf32, #tpu.memory_space<vmem>>, %arg3: memref<128x128xf32, #tpu.memory_space<vmem>>, %arg4: memref<128x128xf32, #tpu.memory_space<vmem>>, %arg5: memref<1x128xf32, #tpu.memory_space<vmem>>, %arg6: memref<1024x1024xf32, #tpu.memory_space<vmem>>, %arg7: memref<1024x128xf32, #tpu.memory_space<vmem>>) attributes {dimension_semantics = [], scalar_prefetch = 0 : i64, scratch_operands = 0 : i64, tpu.core_type = #tpu.core_type<tc>} {
    %get3A = arith.constant 0 : index
    %get3A_0 = arith.constant 0 : index
    %get3A_1 = vector.load %arg1[%get3A, %get3A_0] : memref<1024x8xf32, #tpu.memory_space<vmem>>, vector<1024x8xf32>
    %mul3A = arith.constant 5.000000e+00 : f32
    %mul3A_2 = vector.broadcast %mul3A : f32 to vector<1024x8xf32>
    %mul3A_3 = arith.mulf %get3A_1, %mul3A_2 : vector<1024x8xf32>
    %reduce_max3A = arith.constant dense<0xFF800000> : vector<1024xf32>
    %reduce_max3A_4 = vector.multi_reduction <maximumf>, %mul3A_3, %reduce_max3A [1] : vector<1024x8xf32> to vector<1024xf32>
    %broadcast_in_dim3A = vector.shape_cast %reduce_max3A_4 : vector<1024xf32> to vector<1024x1xf32>
    %sub3A = vector.broadcast %broadcast_in_dim3A : vector<1024x1xf32> to vector<1024x8xf32>
    %sub3A_5 = arith.subf %mul3A_3, %sub3A : vector<1024x8xf32>
    %exp3A = math.exp %sub3A_5 : vector<1024x8xf32>
    %reduce_sum3A = arith.constant dense<0.000000e+00> : vector<1024xf32>
    %reduce_sum3A_6 = vector.multi_reduction <add>, %exp3A, %reduce_sum3A [1] : vector<1024x8xf32> to vector<1024xf32>
    %broadcast_in_dim3A_7 = vector.shape_cast %reduce_sum3A_6 : vector<1024xf32> to vector<1024x1xf32>
    %div3A = vector.broadcast %broadcast_in_dim3A_7 : vector<1024x1xf32> to vector<1024x8xf32>
    %div3A_8 = arith.divf %exp3A, %div3A : vector<1024x8xf32>
    %slice3A = vector.extract_strided_slice %div3A_8 {offsets = [0, 0], sizes = [1024, 1], strides = [1, 1]} : vector<1024x8xf32> to vector<1024x1xf32>
    %get3A_9 = arith.constant 0 : index
    %get3A_10 = arith.constant 0 : index
    %get3A_11 = vector.load %arg6[%get3A_9, %get3A_10] : memref<1024x1024xf32, #tpu.memory_space<vmem>>, vector<1024x128xf32>
    %mul3A_12 = vector.broadcast %slice3A : vector<1024x1xf32> to vector<1024x128xf32>
    %mul3A_13 = arith.mulf %mul3A_12, %get3A_11 : vector<1024x128xf32>
    %slice3A_14 = vector.extract_strided_slice %div3A_8 {offsets = [0, 1], sizes = [1024, 1], strides = [1, 1]} : vector<1024x8xf32> to vector<1024x1xf32>
    %get3A_15 = arith.constant 0 : index
    %get3A_16 = arith.constant 128 : index
    %get3A_17 = vector.load %arg6[%get3A_15, %get3A_16] : memref<1024x1024xf32, #tpu.memory_space<vmem>>, vector<1024x128xf32>
    %mul3A_18 = vector.broadcast %slice3A_14 : vector<1024x1xf32> to vector<1024x128xf32>
    %mul3A_19 = arith.mulf %mul3A_18, %get3A_17 : vector<1024x128xf32>
    %add3A = arith.addf %mul3A_13, %mul3A_19 : vector<1024x128xf32>
    %slice3A_20 = vector.extract_strided_slice %div3A_8 {offsets = [0, 2], sizes = [1024, 1], strides = [1, 1]} : vector<1024x8xf32> to vector<1024x1xf32>
    %get3A_21 = arith.constant 0 : index
    %get3A_22 = arith.constant 256 : index
    %get3A_23 = vector.load %arg6[%get3A_21, %get3A_22] : memref<1024x1024xf32, #tpu.memory_space<vmem>>, vector<1024x128xf32>
    %mul3A_24 = vector.broadcast %slice3A_20 : vector<1024x1xf32> to vector<1024x128xf32>
    %mul3A_25 = arith.mulf %mul3A_24, %get3A_23 : vector<1024x128xf32>
    %add3A_26 = arith.addf %add3A, %mul3A_25 : vector<1024x128xf32>
    %slice3A_27 = vector.extract_strided_slice %div3A_8 {offsets = [0, 3], sizes = [1024, 1], strides = [1, 1]} : vector<1024x8xf32> to vector<1024x1xf32>
    %get3A_28 = arith.constant 0 : index
    %get3A_29 = arith.constant 384 : index
    %get3A_30 = vector.load %arg6[%get3A_28, %get3A_29] : memref<1024x1024xf32, #tpu.memory_space<vmem>>, vector<1024x128xf32>
    %mul3A_31 = vector.broadcast %slice3A_27 : vector<1024x1xf32> to vector<1024x128xf32>
    %mul3A_32 = arith.mulf %mul3A_31, %get3A_30 : vector<1024x128xf32>
    %add3A_33 = arith.addf %add3A_26, %mul3A_32 : vector<1024x128xf32>
    %slice3A_34 = vector.extract_strided_slice %div3A_8 {offsets = [0, 4], sizes = [1024, 1], strides = [1, 1]} : vector<1024x8xf32> to vector<1024x1xf32>
    %get3A_35 = arith.constant 0 : index
    %get3A_36 = arith.constant 512 : index
    %get3A_37 = vector.load %arg6[%get3A_35, %get3A_36] : memref<1024x1024xf32, #tpu.memory_space<vmem>>, vector<1024x128xf32>
    %mul3A_38 = vector.broadcast %slice3A_34 : vector<1024x1xf32> to vector<1024x128xf32>
    %mul3A_39 = arith.mulf %mul3A_38, %get3A_37 : vector<1024x128xf32>
    %add3A_40 = arith.addf %add3A_33, %mul3A_39 : vector<1024x128xf32>
    %slice3A_41 = vector.extract_strided_slice %div3A_8 {offsets = [0, 5], sizes = [1024, 1], strides = [1, 1]} : vector<1024x8xf32> to vector<1024x1xf32>
    %get3A_42 = arith.constant 0 : index
    %get3A_43 = arith.constant 640 : index
    %get3A_44 = vector.load %arg6[%get3A_42, %get3A_43] : memref<1024x1024xf32, #tpu.memory_space<vmem>>, vector<1024x128xf32>
    %mul3A_45 = vector.broadcast %slice3A_41 : vector<1024x1xf32> to vector<1024x128xf32>
    %mul3A_46 = arith.mulf %mul3A_45, %get3A_44 : vector<1024x128xf32>
    %add3A_47 = arith.addf %add3A_40, %mul3A_46 : vector<1024x128xf32>
    %slice3A_48 = vector.extract_strided_slice %div3A_8 {offsets = [0, 6], sizes = [1024, 1], strides = [1, 1]} : vector<1024x8xf32> to vector<1024x1xf32>
    %get3A_49 = arith.constant 0 : index
    %get3A_50 = arith.constant 768 : index
    %get3A_51 = vector.load %arg6[%get3A_49, %get3A_50] : memref<1024x1024xf32, #tpu.memory_space<vmem>>, vector<1024x128xf32>
    %mul3A_52 = vector.broadcast %slice3A_48 : vector<1024x1xf32> to vector<1024x128xf32>
    %mul3A_53 = arith.mulf %mul3A_52, %get3A_51 : vector<1024x128xf32>
    %add3A_54 = arith.addf %add3A_47, %mul3A_53 : vector<1024x128xf32>
    %slice3A_55 = vector.extract_strided_slice %div3A_8 {offsets = [0, 7], sizes = [1024, 1], strides = [1, 1]} : vector<1024x8xf32> to vector<1024x1xf32>
    %get3A_56 = arith.constant 0 : index
    %get3A_57 = arith.constant 896 : index
    %get3A_58 = vector.load %arg6[%get3A_56, %get3A_57] : memref<1024x1024xf32, #tpu.memory_space<vmem>>, vector<1024x128xf32>
    %mul3A_59 = vector.broadcast %slice3A_55 : vector<1024x1xf32> to vector<1024x128xf32>
    %mul3A_60 = arith.mulf %mul3A_59, %get3A_58 : vector<1024x128xf32>
    %add3A_61 = arith.addf %add3A_54, %mul3A_60 : vector<1024x128xf32>
    %get3A_62 = arith.constant 0 : index
    %get3A_63 = arith.constant 0 : index
    %get3A_64 = vector.load %arg2[%get3A_62, %get3A_63] : memref<128x128xf32, #tpu.memory_space<vmem>>, vector<128x128xf32>
    %dot_general3A = arith.constant dense<0.000000e+00> : vector<1024x128xf32>
    %dot_general3A_65 = tpu.matmul %add3A_61, %get3A_64, %dot_general3A {dimension_numbers = #tpu.dot_dimension_numbers<[1], [1], [0], [0], [0, 0, 1, 0], [], []>, transpose_lhs_hint = false} : vector<1024x128xf32>, vector<128x128xf32>, vector<1024x128xf32> -> vector<1024x128xf32>
    %get3A_66 = arith.constant 0 : index
    %get3A_67 = arith.constant 0 : index
    %get3A_68 = vector.load %arg0[%get3A_66, %get3A_67] : memref<1024x128xf32, #tpu.memory_space<vmem>>, vector<1024x128xf32>
    %get3A_69 = arith.constant 0 : index
    %get3A_70 = arith.constant 0 : index
    %get3A_71 = vector.load %arg3[%get3A_69, %get3A_70] : memref<128x128xf32, #tpu.memory_space<vmem>>, vector<128x128xf32>
    %dot_general3A_72 = arith.constant dense<0.000000e+00> : vector<1024x128xf32>
    %dot_general3A_73 = tpu.matmul %get3A_68, %get3A_71, %dot_general3A_72 {dimension_numbers = #tpu.dot_dimension_numbers<[1], [1], [0], [0], [0, 0, 1, 0], [], []>, transpose_lhs_hint = false} : vector<1024x128xf32>, vector<128x128xf32>, vector<1024x128xf32> -> vector<1024x128xf32>
    %get3A_74 = arith.constant 0 : index
    %get3A_75 = arith.constant 0 : index
    %get3A_76 = vector.load %arg4[%get3A_74, %get3A_75] : memref<128x128xf32, #tpu.memory_space<vmem>>, vector<128x128xf32>
    %dot_general3A_77 = arith.constant dense<0.000000e+00> : vector<1024x128xf32>
    %dot_general3A_78 = tpu.matmul %dot_general3A_65, %get3A_76, %dot_general3A_77 {dimension_numbers = #tpu.dot_dimension_numbers<[1], [1], [0], [0], [0, 0, 1, 0], [], []>, transpose_lhs_hint = false} : vector<1024x128xf32>, vector<128x128xf32>, vector<1024x128xf32> -> vector<1024x128xf32>
    %add3A_79 = arith.addf %dot_general3A_73, %dot_general3A_78 : vector<1024x128xf32>
    %get3A_80 = arith.constant 0 : index
    %get3A_81 = arith.constant 0 : index
    %get3A_82 = vector.load %arg5[%get3A_80, %get3A_81] : memref<1x128xf32, #tpu.memory_space<vmem>>, vector<1x128xf32>
    %add3A_83 = vector.broadcast %get3A_82 : vector<1x128xf32> to vector<1024x128xf32>
    %add3A_84 = arith.addf %add3A_79, %add3A_83 : vector<1024x128xf32>
    %logistic3A = arith.negf %add3A_84 : vector<1024x128xf32>
    %logistic3A_85 = math.exp %logistic3A : vector<1024x128xf32>
    %logistic3A_86 = arith.constant 1.000000e+00 : f32
    %logistic3A_87 = vector.broadcast %logistic3A_86 : f32 to vector<1024x128xf32>
    %logistic3A_88 = arith.addf %logistic3A_87, %logistic3A_85 : vector<1024x128xf32>
    %logistic3A_89 = arith.divf %logistic3A_87, %logistic3A_88 : vector<1024x128xf32>
    %mul3A_90 = arith.mulf %logistic3A_89, %dot_general3A_65 : vector<1024x128xf32>
    %swap3A = arith.constant 0 : index
    %swap3A_91 = arith.constant 0 : index
    %swap3A_92 = vector.load %arg7[%swap3A, %swap3A_91] : memref<1024x128xf32, #tpu.memory_space<vmem>>, vector<1024x128xf32>
    tpu.vector_store %arg7[%swap3A, %swap3A_91], %mul3A_90 {strides = array<i32>} : memref<1024x128xf32, #tpu.memory_space<vmem>>, vector<1024x128xf32>,
    return
  }
}

</mosaic_0001>

<sc_bundles>
// kernel: kernel.6.cloned.1.call-start
scs
__scs_entry_jumppad:
0x0: {  	(pc) =	sbr.rel $0x88, $3  }
0x1: {  	(tag) =	ssettag $0x0;
	lr =	simm.s32 $0x1  }
0x2: {  	[smem:$0x3F9A] =	sst lr;
	_ =	strace $0xD0000000  }
0x3: {  	_ = 	snop  }
0x4: {  	_ = 	snop  }
0x5: {  	_ = 	snop  }
0x6: {  	_ = 	snop  }
0x7: {  	_ = 	snop  }
__scs_overlays_trampoline_lowered:
0x8: {  	[smem:$0x3FA9] =	sst s0  }
0x9: {  	[smem:$0x3FAA] =	sst s1  }
0xa: {  	[smem:$0x3FAB] =	sst s2  }
0xb: {  	[smem:$0x3FAC] =	sst s3  }
0xc: {  	[smem:$0x3FAD] =	sst s4  }
0xd: {  	[smem:$0x3FAE] =	sst s5  }
0xe: {  	[smem:$0x3FAF] =	sst s6  }
0xf: {  	[smem:$0x3FB0] =	sst s7  }
0x10: {  	[smem:$0x3FB1] =	sst s8  }
0x11: {  	[smem:$0x3FB2] =	sst s9;
	s0 =	simm.s32 @!p0 $0x0  }
0x12: {  	s1 =	sld [smem:$0x3F98];
	s0 =	simm.s32 @p0 $0x1  }
0x13: {  	[smem:$0x3FB3] =	sst s0;
	s0 =	simm.s32 @!p1 $0x0  }
0x14: {  	s2 =	sld [smem:$0x3F97];
	s0 =	simm.s32 @p1 $0x1  }
0x15: {  	[smem:$0x3FB4] =	sst s0;
	s0 =	simm.s32 @!p2 $0x0  }
0x16: {  	s3 =	sld [smem:$0x3FDB];
	s0 =	simm.s32 @p2 $0x1  }
0x17: {  	s4 =	simm.s32 $0x1BF5;
	[smem:$0x3FB6] =	sst s0  }
0x18: {  	s0 =	sld [smem:$0x3F99];
	_ =	swait.ge [sflag:s4], $0x0  }
0x19: {  	s7 =	sld [smem:$0x3F9A]  }
0x1a: {  	s8 =	sadd.s32 $0xFFFFE003, lr  }
0x1b: {  	s9 =	sadd.s32 $0xFFFFFEF7, lr;
	s5 =	simm.s32 $0xFFFFFFFF;
	p2 =	slt.u32 s8, $0xFFFFF086  }
0x1c: {  	p1 =	slt.u32 s9, $0xF7A;
	s5 =	simm.s32 @!p2 $0x0  }
0x1d: {  	s5 =	simm.s32 @p1 $0x1;
	p0 =	seq.s32 s7, s2  }
0x1e: {  	s7 =	smul.u32 @!p0 $0xF7A, s2;
	p2 =	seq.s32 @!p0 s5, $0x0  }
0x1f: {  	s9 =	smul.u32 $0xF7A, s1;
	s8 =	simm.s32 @!p0 $0x1BF5;
	p2 =	por !p2, p0  }
0x20: {  	[sflag:s8] =	ssyncset.s32 @!p0 $0xFFFFF086;
	s6 =	sadd.s32 @!p0 s3, s7;
	s7 =	simm.s32 @!p0 $0x108  }
0x21: {  	s3 =	sadd.s32 s3, s9;
	s6 =	sadd.s32 @!p0 $0x88, s6;
	s7 =	simm.s32 @p2 $0x1082  }
0x22: {  	[simem:s7], [sflag:s8] =	dma.local @!p0 [hbm:s6], $0xF7A  }
0x23: {  	s9 =	sor.u32 $0xD0000000, s2;
	s6 =	simm.s32 $0x108;
	_ =	swait.ge @!p0 [sflag:s8], $0x0  }
0x24: {  	s3 =	sadd.s32 $0x88, s3;
	s6 =	simm.s32 @!p1 $0x1082;
	[sflag:s4] =	ssyncset.s32 $0xFFFFF086  }
0x25: {  	[simem:s6], [sflag:s4] =	dma.local [hbm:s3], $0xF7A  }
0x26: {  	[smem:$0x3F9A] =	sst s1;
	(tag) =	ssettag s2;
	_ =	strace s9  }
0x27: {  	s1 =	sld [smem:$0x3FAA]  }
0x28: {  	s2 =	sld [smem:$0x3FAB]  }
0x29: {  	s4 =	sld [smem:$0x3FAD]  }
0x2a: {  	p0 =	seq.s32 s5, $0x0;
	s5 =	sld [smem:$0x3FAE]  }
0x2b: {  	s6 =	sld [smem:$0x3FAF]  }
0x2c: {  	s7 =	sld [smem:$0x3FB0]  }
0x2d: {  	s3 =	simm.s32 $0x108;
	s8 =	sld [smem:$0x3FB1]  }
0x2e: {  	s3 =	simm.s32 @!p0 $0x1082;
	s9 =	sld [smem:$0x3FB2]  }
0x2f: {  	lr =	sadd.s32 s0, s3;
	s0 =	sld [smem:$0x3FA9]  }
0x30: {  	s3 =	sld [smem:$0x3FAC]  }
0x31: {  	[smem:$0x3FB5] =	sst s10  }
0x32: {  	s10 =	sld [smem:$0x3FB3];
	_ =	sdelay $0x3  }
0x33: {  	p0 =	seq.s32 s10, $0x1;
	s10 =	sld [smem:$0x3FB5];
	_ =	sdelay $0x3  }
0x34: {  	[smem:$0x3FB5] =	sst s10  }
0x35: {  	s10 =	sld [smem:$0x3FB4];
	_ =	sdelay $0x3  }
0x36: {  	p1 =	seq.s32 s10, $0x1;
	s10 =	sld [smem:$0x3FB5];
	_ =	sdelay $0x3  }
0x37: {  	[smem:$0x3FB5] =	sst s10  }
0x38: {  	s10 =	sld [smem:$0x3FB6]  }
0x39: {  	_ = 	snop;
	(pc) =	sbr.ind lr, $3  }
0x3a: {  	_ = 	snop  }
0x3b: {  	_ = 	snop  }
0x3c: {  	p2 =	seq.s32 s10, $0x1;
	s10 =	sld [smem:$0x3FB5]  }
0x3d: {  	_ =	shalt  }
0x3e: {  	_ =	shalt  }
0x3f: {  	_ =	shalt  }
0x40: {  	_ =	shalt  }
0x41: {  	_ =	shalt  }
0x42: {  	_ =	shalt  }
0x43: {  	_ =	shalt  }
0x44: {  	_ =	shalt  }
0x45: {  	_ =	shalt  }
0x46: {  	_ =	shalt  }
0x47: {  	_ =	shalt  }
0x48: {  	_ =	shalt  }
0x49: {  	_ =	shalt  }
0x4a: {  	_ =	shalt  }
0x4b: {  	_ =	shalt  }
0x4c: {  	_ =	shalt  }
0x4d: {  	_ =	shalt  }
0x4e: {  	_ =	shalt  }
0x4f: {  	_ =	shalt  }
0x50: {  	_ =	shalt  }
0x51: {  	_ =	shalt  }
0x52: {  	_ =	shalt  }
0x53: {  	_ =	shalt  }
0x54: {  	_ =	shalt  }
0x55: {  	_ =	shalt  }
0x56: {  	_ =	shalt  }
0x57: {  	_ =	shalt  }
0x58: {  	_ =	shalt  }
0x59: {  	_ =	shalt  }
0x5a: {  	_ =	shalt  }
0x5b: {  	_ =	shalt  }
0x5c: {  	_ =	shalt  }
0x5d: {  	_ =	shalt  }
0x5e: {  	_ =	shalt  }
0x5f: {  	_ =	shalt  }
0x60: {  	_ =	shalt  }
0x61: {  	_ =	shalt  }
0x62: {  	_ =	shalt  }
0x63: {  	_ =	shalt  }
0x64: {  	_ =	shalt  }
0x65: {  	_ =	shalt  }
0x66: {  	_ =	shalt  }
0x67: {  	_ =	shalt  }
0x68: {  	_ =	shalt  }
0x69: {  	_ =	shalt  }
0x6a: {  	_ =	shalt  }
0x6b: {  	_ =	shalt  }
0x6c: {  	_ =	shalt  }
0x6d: {  	_ =	shalt  }
0x6e: {  	_ =	shalt  }
0x6f: {  	_ =	shalt  }
0x70: {  	_ =	shalt  }
0x71: {  	_ =	shalt  }
0x72: {  	_ =	shalt  }
0x73: {  	_ =	shalt  }
0x74: {  	_ =	shalt  }
0x75: {  	_ =	shalt  }
0x76: {  	_ =	shalt  }
0x77: {  	_ =	shalt  }
0x78: {  	_ =	shalt  }
0x79: {  	_ =	shalt  }
0x7a: {  	_ =	shalt  }
0x7b: {  	_ =	shalt  }
0x7c: {  	_ =	shalt  }
0x7d: {  	_ =	shalt  }
0x7e: {  	_ =	shalt  }
0x7f: {  	_ =	shalt  }
0x80: {  	_ =	shalt  }
0x81: {  	_ =	shalt  }
0x82: {  	_ =	shalt  }
0x83: {  	_ =	shalt  }
0x84: {  	_ =	shalt  }
0x85: {  	_ =	shalt  }
0x86: {  	_ =	shalt  }
0x87: {  	_ =	shalt  }
.Lfunc_end0:
.L_simem_size_0:
called_computation_lowered:
.L_overlay_start_0:
0x88: {  	s2 =	sld [smem:$0x3FD9]  }
0x89: {  	s3 =	sld [smem:$0x3FFE];
	_ =	sdelay $0x1  }
0x8a: {  	s1 =	srdreg.scid  }
0x8b: {  	s0 =	sand.u32 $0x1, s1  }
0x8c: {  	s17 =	sshll.u32 s0, $0xA;
	s2 =	sadd.s32 s3, s2  }
0x8d: {  	s2 =	sadd.s32 s2, s17  }
0x8e: {  	[smem:$0x3FC1] =	sst s2  }
0x8f: {  	_ = 	snop  }
0x90: {  	s2 =	sld [smem:$0x3FC7]  }
0x91: {  	s18 =	sld [smem:$0x3FD0];
	(tm) =	ssettm $0x1  }
0x92: {  	s4 =	sld [smem:$0x3FFB];
	_ =	sdelay $0x3  }
0x93: {  	_ =	strace s4  }
0x94: {  	s4 =	sld [smem:$0x3FFC];
	_ =	sdelay $0x3  }
0x95: {  	_ =	strace s4  }
0x96: {  	s4 =	sld [smem:$0x3FFD];
	_ =	sdelay $0x3  }
0x97: {  	_ =	strace s4  }
0x98: {  	_ =	strace $0x8FFFFFFF  }
0x99: {  	s19 =	sld [smem:$0x3FDB];
	_ =	sdelay $0x1  }
0x9a: {  	s5 =	simm.s32 $_scs_section_size  }
0x9b: {  	s6 =	simm.s32 $_size__tile_overlayer_lowered;
	s7 =	simm.s32 $_tile_overlayer_lowered  }
0x9c: {  	s22 =	simm.s32 $0x1BFF;
	s21 =	sshll.u32 s7, $0x1;
	s4 =	sadd.s32 s5, s19  }
0x9d: {  	s8 =	simm.s32 $0x0;
	s20 =	sshll.u32 s6, $0x1;
	s6 =	sadd.s32 s21, s4  }
0x9e: {  	[timem:s8], [sflag:s22] =	dma.local [hbm:s6], s20  }
0x9f: {  	_ =	swait.ge [sflag:s22], s20  }
0xa0: {  	s5 =	ssub.s32 $0x0, s20;
	[sflag:s22] =	ssyncset.done $0x0  }
0xa1: {  	[sflag:s22] =	ssyncadd.s32 s5;
	_ =	sdelay $0x1  }
0xa2: {  	s23 =	simm.s32 $0x1B8B  }
0xa3: {  	_ =	swait.ge [sflag:s23], $0x1  }
0xa4: {  	[sflag:s23] =	ssyncset.done $0x0  }
0xa5: {  	s25 =	simm.s32 $0x1B8E;
	s24 =	sld [smem:$0x3FFE];
	[sflag:s23] =	ssyncadd.s32 $0xFFFFFFFF  }
0xa6: {  	s26 =	simm.s32 $execute0_lowered;
	[smem:$0x3FD2] =	sst s25  }
0xa7: {  	s6 =	sshll.u32 s26, $0x1;
	_ =	strace $0x80000046;
	[dreg:$0x1] =	wrdreg $0xFFFFFFFF  }
0xa8: {  	s28 =	simm.s32 $_size_execute0_lowered;
	s4 =	sadd.s32 s4, s6;
	[dreg:$0x0] =	wrdreg $0x0  }
0xa9: {  	s6 =	sshll.u32 s28, $0x1;
	[dreg:$0x2] =	wrdreg s4  }
0xaa: {  	[dreg:$0x3] =	wrdreg s6  }
0xab: {  	[dreg:$0x4] =	wrdreg $0xC0  }
0xac: {  	_ =	task [dreg:s8], $0x5FFFF  }
0xad: {  	[dreg:$0x1] =	wrdreg $0xFFFFFFFF  }
0xae: {  	[dreg:$0x0] =	wrdreg $0x60  }
0xaf: {  	[dreg:$0x2] =	wrdreg s2  }
0xb0: {  	[dreg:$0x3] =	wrdreg s18  }
0xb1: {  	[dreg:$0x4] =	wrdreg s24  }
0xb2: {  	[dreg:$0x5] =	wrdreg $0x9  }
0xb3: {  	_ =	task.clear_ibuf [dreg:s8], $0x6FFFF;
	_ =	strace $0x90000046  }
0xb4: {  	s29 =	simm.s32 $0x9;
	_ =	strace $0x80000048  }
0xb5: {  	_ =	swait.ge [sflag:s29], $0x1  }
0xb6: {  	[sflag:s29] =	ssyncadd.s32 $0xFFFFFFFF  }
0xb7: {  	_ =	strace $0x90000048  }
0xb8: {  	_ =	sfence  }
0xb9: {  	s30 =	sld [smem:$0x0];
	_ =	sdelay $0x2  }
0xba: {  	s31 =	sshll.u32 s1, $0xD;
	s1 =	sshrl.u32 s1, $0x2  }
0xbb: {  	s3 =	sand.u32 $0x4000, s31;
	s1 =	sadd.s32 s1, s30  }
0xbc: {  	s0 =	sor.u32 s3, s0;
	s1 =	sshll.u32 s1, $0x11  }
0xbd: {  	s0 =	sor.u32 s1, s0  }
0xbe: {  	s0 =	sadd.s32 $0x8F2B, s0  }
0xbf: {  	[sflag:s0] =	ssyncadd.remote.s32 $0x1  }
0xc0: {  	_ =	sfence.sel $0xFFFF  }
0xc1: {  	[dreg:$0x0] =	wrdreg $0xFFFFFFFF;
	(pc) =	sbr.abs _section_cstart, $3  }
0xc2: {  	[dreg:$0x1] =	wrdreg $0xFFFFFFFF  }
0xc3: {  	_ =	task.clear_ibuf [dreg:s8], $0x2FFFF;
	_ =	strace $0x9FFFFFFF  }
0xc4: {  	(tm) =	ssettm $0x7FFFFFFF  }
0xc5: {  	_ =	shalt  }
tec
execute0_lowered:
.L_overlay_start_1:
0x0: {  	(tag) =	ssettag $0x1  }
0x1: {  	s2 =	rddreg [dreg:$0x0]  }
0x2: {  	s4 =	rddreg [dreg:$0x1]  }
0x3: {  	s1 =	srdreg.scid;
	s0 =	stileid.u32  }
0x4: {  	s10 =	rddreg [dreg:$0x2];
	s11 =	sand.u32 $0x1, s1;
	s5 =	sshll.u32 s0, $0x1  }
0x5: {  	s3 =	simm.s32 $0x0;
	s1 =	rddreg [dreg:$0x3];
	s12 =	sor.u32 s11, s5  }
0x6: {  	[smem:$0x7FF] =	sst s3;
	s5 =	sshll.u32 s12, $0x5  }
0x7: {  	_ =	strace $0x80000047;
	s5 =	sadd.s32 s4, s5;
	s4 =	simm.s32 $0x2  }
0x8: {  	[tilespmem:s3], [sflag:$0x2] =	stream.linear.gather [hbm4b:s5+s3], $0x100, $0x38;
	[tilespmem:$0x8100] =	vst v63  }
0x9: {  	_ =	swait.ge [sflag:s4], $0x100  }
0xa: {  	[sflag:s4] =	ssyncset.done $0x0  }
0xb: {  	s6 =	simm.s32 $0x80;
	s7 =	simm.s32 $0x100;
	[sflag:s4] =	ssyncadd.s32 $0xFFFFFF00  }
0xc: {  	[tilespmem:s7], [sflag:$0x1] =	stream.indirect.gather [hbm4b:s2+s6], $0x80, s3, s6, $0xb8;
	[tilespmem:$0x8100] =	vst v63  }
0xd: {  	s8 =	simm.s32 $0x4100;
	s9 =	simm.s32 $0x1;
	s11 =	ssub.s32 $0x2, s11  }
0xe: {  	[tilespmem:s8], [sflag:$0x1] =	stream.indirect.gather [hbm4b:s2+s6], $0x80, s6, s6, $0xb8;
	[tilespmem:$0x8100] =	vst v63  }
0xf: {  	s13 =	sshrl.u32 s11, $0x1;
	_ =	swait.ge [sflag:s9], $0x4000  }
0x10: {  	s11 =	ssub.s32 s11, s13;
	[sflag:s9] =	ssyncset.done $0x0  }
0x11: {  	s11 =	smax.u32 s11, $0x1;
	[sflag:s9] =	ssyncadd.s32 $0xFFFFC000  }
0x12: {  	s12 =	sshll.u32 s12, $0xC;
	p0 =	sne.s32 s11, $0x1;
	_ =	swait.ge [sflag:s9], $0x4000  }
.Ltmp0:
0x13: {  	s10 =	sadd.s32 s12, s10;
	[sflag:s9] =	ssyncset.done $0x0;
	(pc) =	sbr.rel @!p0 .LBB2_2-.Ltmp0, $4  }
0x14: {  	s10 =	sadd.s32 $0x1800, s10;
	[sflag:s9] =	ssyncadd.s32 $0xFFFFC000  }
0x15: {  	[hbm4b:s10+s3] =	stream.linear.scatter [tilespmem:s7], [sflag:$0x2], $0x8000, $0x38;
	[tilespmem:$0x8100] =	vst v63  }
0x16: {  	_ =	swait.ge [sflag:s4], $0x8000  }
0x17: {  	s11 =	sadd.s32 $0xFFFFFFFF, s11;
	[sflag:s4] =	ssyncset.done $0x0  }
.LBB2_1:
0x18: {  	p0 =	sne.s32 s11, $0x1;
	s11 =	sadd.s32 $0xFFFFFFFF, s11;
	[sflag:s4] =	ssyncadd.s32 $0xFFFF8000  }
0x19: {  	[tilespmem:s3], [sflag:$0x2] =	stream.linear.gather [hbm4b:s5+s3], $0x100, $0x38;
	[tilespmem:$0x8100] =	vst v63  }
0x1a: {  	_ =	swait.ge [sflag:s4], $0x100  }
0x1b: {  	[sflag:s4] =	ssyncset.done $0x0  }
0x1c: {  	[sflag:s4] =	ssyncadd.s32 $0xFFFFFF00  }
0x1d: {  	[tilespmem:s7], [sflag:$0x1] =	stream.indirect.gather [hbm4b:s2+s6], $0x80, s3, s6, $0xb8;
	[tilespmem:$0x8100] =	vst v63  }
0x1e: {  	_ = 	snop  }
0x1f: {  	[tilespmem:s8], [sflag:$0x1] =	stream.indirect.gather [hbm4b:s2+s6], $0x80, s6, s6, $0xb8;
	[tilespmem:$0x8100] =	vst v63  }
0x20: {  	_ =	swait.ge [sflag:s9], $0x4000  }
0x21: {  	[sflag:s9] =	ssyncset.done $0x0  }
0x22: {  	[sflag:s9] =	ssyncadd.s32 $0xFFFFC000  }
0x23: {  	_ =	swait.ge [sflag:s9], $0x4000  }
.Ltmp1:
0x24: {  	[sflag:s9] =	ssyncset.done $0x0;
	(pc) =	sbr.rel @p0 .LBB2_1-.Ltmp1, $4  }
0x25: {  	[sflag:s9] =	ssyncadd.s32 $0xFFFFC000  }
0x26: {  	[hbm4b:s10+s3] =	stream.linear.scatter [tilespmem:s7], [sflag:$0x2], $0x8000, $0x38;
	[tilespmem:$0x8100] =	vst v63  }
0x27: {  	_ =	swait.ge [sflag:s4], $0x8000  }
0x28: {  	[sflag:s4] =	ssyncset.done $0x0  }
.LBB2_2:
0x29: {  	[sflag:s4] =	ssyncadd.s32 $0xFFFF8000  }
0x2a: {  	_ =	sfence.sel $0x180000  }
0x2b: {  	[bflag:$0x0] =	sbarrier.arrive $0xFFFF  }
0x2c: {  	p0 =	sne.s32 s0, $0x0;
	_ =	strace $0x90000047  }
0x2d: {  	s0 =	sadd.s32 @!p0 $0x100000, s1;
	[bflag:$0x2] =	sbarrier.arrive $0xFFFF  }
0x2e: {  	[sflag:s0] =	ssyncadd.tile.s32 @!p0 $0x1;
	_ =	shalt  }
.Lfunc_end2:
_tile_overlayer_lowered:
.L_overlay_start_2:
0x2f: {  	(tag) =	ssettag $0x2  }
0x30: {  	s0 =	rddreg [dreg:$0x0];
	s2 =	stileid.u32  }
0x31: {  	s1 =	rddreg [dreg:$0x1];
	p0 =	sne.s32 s2, $0x0  }
0x32: {  	s3 =	rddreg [dreg:$0x2];
	[bflag:$0x3] =	sbarrier.arrive $0xFFFF;
	s2 =	simm.s32 @!p0 $0x1C02  }
0x33: {  	[timem:s3], [sflag:s2] =	dma.local @!p0 [hbm:s0], s1  }
0x34: {  	s0 =	simm.s32 @!p0 $0x2  }
0x35: {  	_ =	swait.ge @!p0 [sflag:s0], s1  }
0x36: {  	s1 =	ssub.s32 @!p0 $0x0, s1;
	[sflag:s0] =	ssyncset.done @!p0 $0x0  }
0x37: {  	[sflag:s0] =	ssyncadd.s32 @!p0 s1  }
0x38: {  	[bflag:$0x3] =	sbarrier.arrive $0xFFFF  }
0x39: {  	_ =	shalt  }

</sc_bundles>
